<compile_context>
chip_gen: v7x
topology: tpu7x:2x2x1
jax: 0.10.2.dev20260603
libtpu: 0.0.44.dev20260713+nightly
codegen_flags: <defaults>
</compile_context>

<pallas_src>
import functools
import jax
import jax.numpy as jnp
from jax import lax
from jax.experimental import pallas as pl
from jax.experimental.pallas import tpu as pltpu
from jax.experimental.pallas import tpu_sc as plsc

_NC, _NS = 2, 16
_NW = _NC * _NS


def _nodes_kernel(rf_ref, w_ref, b_ref, out_ref):
    rf = rf_ref[0]
    nodes = jax.lax.dot_general(
        rf, w_ref[...], (((1,), (1,)), ((), ())),
        preferred_element_type=jnp.float32)
    out_ref[0] = nodes + b_ref[...]


def _topk_kernel(nodes_ref, out_vals_ref, out_idx_ref, *, R, K, N):
    b = pl.program_id(0)
    rb = pl.program_id(1)
    nodes_all = nodes_ref[0]
    rows = nodes_ref[0, pl.ds(rb * R, R), :]

    sim = jax.lax.dot_general(
        rows, nodes_all, (((1,), (1,)), ((), ())),
        preferred_element_type=jnp.float32)

    col = jax.lax.broadcasted_iota(jnp.int32, (R, N), 1)
    row_g = rb * R + jax.lax.broadcasted_iota(jnp.int32, (R, N), 0)
    sim = jnp.where(col == row_g, jnp.float32(-1e9), sim)

    lane_k = jax.lax.broadcasted_iota(jnp.int32, (R, K), 1)
    vals = jnp.zeros((R, K), jnp.float32)
    idxs = jnp.zeros((R, K), jnp.int32)
    m = jnp.float32(0)
    for kk in range(K):
        work = sim if kk == 0 else jnp.where(sim < m, sim, -jnp.inf)
        m = jnp.max(work, axis=1, keepdims=True)
        vals = jnp.where(lane_k == kk, m, vals)
        first = jnp.min(jnp.where(work == m, col, N), axis=1, keepdims=True)
        idxs = jnp.where(lane_k == kk, first + b * N, idxs)
    out_vals_ref[0] = vals
    out_idx_ref[0] = idxs


def _mean_mlp_kernel(g_ref, nodes_ref, wmsg_ref, bmsg_ref, wout_ref, bout_ref,
                     out_ref, *, R, K, W):
    g = g_ref[0]
    H = nodes_ref.shape[2]
    acc = g[:, 0:H]
    for kk in range(1, K):
        acc = acc + g[:, kk * W:kk * W + H]
    neigh = acc * jnp.float32(1.0 / K)
    rows = nodes_ref[0]
    msgs = jax.lax.dot_general(
        neigh, wmsg_ref[...], (((1,), (1,)), ((), ())),
        preferred_element_type=jnp.float32) + bmsg_ref[...]
    msgs = jnp.maximum(msgs, 0.0)
    updated = rows + msgs
    out = jax.lax.dot_general(
        updated, wout_ref[...], (((1,), (1,)), ((), ())),
        preferred_element_type=jnp.float32) + bout_ref[...]
    out_ref[0] = out


def _sc_gather(table, idx_flat, E_per_w, chunk, H):
    E = idx_flat.shape[0]
    mesh = plsc.VectorSubcoreMesh(core_axis_name="c", subcore_axis_name="s")

    @functools.partial(
        pl.kernel, mesh=mesh,
        out_type=jax.ShapeDtypeStruct((E, H), jnp.float32),
        scratch_types=[
            pltpu.VMEM((chunk,), jnp.int32),
            pltpu.VMEM((chunk, H), jnp.float32),
            pltpu.SemaphoreType.DMA,
        ],
    )
    def k(table_hbm, idx_hbm, out_hbm, idx_v, rows_v, sem):
        wid = lax.axis_index("s") * _NC + lax.axis_index("c")
        base = wid * E_per_w
        for j in range(E_per_w // chunk):
            off = base + j * chunk
            pltpu.sync_copy(idx_hbm.at[pl.ds(off, chunk)], idx_v)
            pltpu.async_copy(table_hbm.at[idx_v], rows_v, sem).wait()
            pltpu.sync_copy(rows_v, out_hbm.at[pl.ds(off, chunk)])

    return k(table, idx_flat)


def kernel(region_features, W_node, b_node, W_msg, b_msg, W_out, b_out):
    B, N, D = region_features.shape
    H = W_node.shape[0]
    K = min(6, N - 1)
    R = 128

    nodes = pl.pallas_call(
        _nodes_kernel,
        grid=(B,),
        in_specs=[
            pl.BlockSpec((1, N, D), lambda b: (b, 0, 0)),
            pl.BlockSpec((H, D), lambda b: (0, 0)),
            pl.BlockSpec((1, H), lambda b: (0, 0)),
        ],
        out_specs=pl.BlockSpec((1, N, H), lambda b: (b, 0, 0)),
        out_shape=jax.ShapeDtypeStruct((B, N, H), jnp.float32),
    )(region_features, W_node, b_node.reshape(1, H))

    vals, idxg = pl.pallas_call(
        functools.partial(_topk_kernel, R=R, K=K, N=N),
        grid=(B, N // R),
        in_specs=[pl.BlockSpec((1, N, H), lambda b, rb: (b, 0, 0))],
        out_specs=[
            pl.BlockSpec((1, R, K), lambda b, rb: (b, rb, 0)),
            pl.BlockSpec((1, R, K), lambda b, rb: (b, rb, 0)),
        ],
        out_shape=[
            jax.ShapeDtypeStruct((B, N, K), jnp.float32),
            jax.ShapeDtypeStruct((B, N, K), jnp.int32),
        ],
    )(nodes)

    E = B * N * K
    E_per_w = E // _NW
    W = 128
    table_pad = jnp.concatenate(
        [nodes.reshape(B * N, H),
         jnp.zeros((B * N, W - H), jnp.float32)], axis=1)
    gathered = _sc_gather(table_pad, idxg.reshape(E),
                          E_per_w, min(512, E_per_w), W)

    out = pl.pallas_call(
        functools.partial(_mean_mlp_kernel, R=R, K=K, W=W),
        grid=(B, N // R),
        in_specs=[
            pl.BlockSpec((1, R, K * W), lambda b, rb: (b, rb, 0)),
            pl.BlockSpec((1, R, H), lambda b, rb: (b, rb, 0)),
            pl.BlockSpec((H, H), lambda b, rb: (0, 0)),
            pl.BlockSpec((1, H), lambda b, rb: (0, 0)),
            pl.BlockSpec((D, H), lambda b, rb: (0, 0)),
            pl.BlockSpec((1, D), lambda b, rb: (0, 0)),
        ],
        out_specs=pl.BlockSpec((1, R, D), lambda b, rb: (b, rb, 0)),
        out_shape=jax.ShapeDtypeStruct((B, N, D), jnp.float32),
    )(gathered.reshape(B, N, K * W), nodes, W_msg, b_msg.reshape(1, H),
      W_out, b_out.reshape(1, D))

    return (out, vals)

# --- scband reference (transcript-rebuilt; emitter-appended) ---
"""Pipeline reference for scband-causal-graph-reasoning-74053826118333 (READ-ONLY COPY).

The authoritative reference and input builder live on the scoring server;
editing this copy changes nothing except your own understanding.
"""

import jax, jax.numpy as jnp
import numpy as np

B, N, D, H, TOPK = 4, 4096, 128, 64, 6

def setup_inputs(seed: int = 0) -> dict:
    key = jax.random.key(seed)
    ks = jax.random.split(key, 5)
    region_features = jax.random.normal(ks[0], (B, N, D), dtype=jnp.float32)
    W_node = jax.random.normal(ks[1], (H, D), dtype=jnp.float32) * (1.0 / np.sqrt(D))
    b_node = jnp.zeros((H,), dtype=jnp.float32)
    W_msg = jax.random.normal(ks[2], (H, H), dtype=jnp.float32) * (1.0 / np.sqrt(H))
    b_msg = jnp.zeros((H,), dtype=jnp.float32)
    W_out = jax.random.normal(ks[3], (D, H), dtype=jnp.float32) * (1.0 / np.sqrt(H))
    b_out = jnp.zeros((D,), dtype=jnp.float32)
    return {"region_features": region_features, "W_node": W_node, "b_node": b_node,
            "W_msg": W_msg, "b_msg": b_msg, "W_out": W_out, "b_out": b_out}

def reference(region_features, W_node, b_node, W_msg, b_msg, W_out, b_out):
    b, n, d = region_features.shape
    # node_lin
    nodes = jnp.einsum('bnd,hd->bnh', region_features, W_node) + b_node  # [B,N,H]
    # dense similarity
    sim = jnp.einsum('bnh,bmh->bnm', nodes, nodes)  # [B,N,N]
    mask = jnp.eye(n, dtype=sim.dtype) * (-1e9)
    sim = sim + mask[None, :, :]
    k = min(TOPK, n - 1)
    topk_vals, topk_idx = jax.lax.top_k(sim, k)  # [B,N,k]
    # gather top-k neighbor node features per batch
    gathered = jax.vmap(lambda nd, idx: nd[idx])(nodes, topk_idx)  # [B,N,k,H]
    neighs = gathered.mean(axis=2)  # [B,N,H]
    # msg MLP
    msgs = jax.nn.relu(jnp.einsum('bnh,gh->bng', neighs, W_msg) + b_msg)
    updated = nodes + msgs
    out = jnp.einsum('bnh,dh->bnd', updated, W_out) + b_out
    return (out, topk_vals)

if __name__ == "__main__":
    import jax
    _d = setup_inputs()
    print(jax.jit(kernel)(*tuple(_d.values())))

</pallas_src>

<mosaic_0001>
#map = affine_map<(d0, d1) -> (0, 0)>
#map1 = affine_map<(d0, d1) -> (0)>
module attributes {stable_mosaic.version = 14 : i64} {
  func.func @k(%arg0: i32, %arg1: i32, %arg2: memref<16384x128xf32, #tpu.memory_space<hbm>>, %arg3: memref<98304xi32, #tpu.memory_space<hbm>>, %arg4: memref<98304x128xf32, #tpu.memory_space<hbm>>, %arg5: memref<512xi32, #tpu.memory_space<vmem>>, %arg6: memref<512x128xf32, #tpu.memory_space<vmem>>, %arg7: memref<!tpu.dma_semaphore, #tpu.memory_space<semaphore_mem>>) attributes {dimension_semantics = [#tpu.dimension_semantics<core_parallel>, #tpu.dimension_semantics<subcore_parallel>], iteration_bounds = array<i64: 2, 16>, scalar_prefetch = 0 : i64, scratch_operands = 3 : i64, tpu.core_type = #tpu.core_type<sc_vector_subcore>, window_params = [{transform_indices = #map}, {transform_indices = #map1}, {transform_indices = #map}]} {
    %mul3A = arith.constant 2 : i32
    %mul3A_0 = arith.muli %arg1, %mul3A : i32
    %add3A = arith.addi %mul3A_0, %arg0 : i32
    %mul3A_1 = arith.constant 3072 : i32
    %mul3A_2 = arith.muli %add3A, %mul3A_1 : i32
    %add3A_3 = arith.constant 0 : i32
    %add3A_4 = arith.addi %mul3A_2, %add3A_3 : i32
    "tpu.region"() ({
      %run_scoped3A = tpu.sem_alloc : memref<!tpu.dma_semaphore, #tpu.memory_space<semaphore_mem>>
      %dma_start3A_49 = tpu.memref_slice %arg3[%add3A_4] : memref<98304xi32, #tpu.memory_space<hbm>> -> memref<512xi32, #tpu.memory_space<hbm>>
      %dma_start3A_50 = tpu.memref_slice %arg3[%add3A_4] : memref<98304xi32, #tpu.memory_space<hbm>> -> memref<512xi32, #tpu.memory_space<hbm>>
      tpu.enqueue_dma source(%dma_start3A_50 : memref<512xi32, #tpu.memory_space<hbm>>) target(%arg5 : memref<512xi32, #tpu.memory_space<vmem>>) target_semaphore(%run_scoped3A : memref<!tpu.dma_semaphore, #tpu.memory_space<semaphore_mem>>)
      %dma_wait3A_51 = tpu.memref_slice %arg3[%add3A_4] : memref<98304xi32, #tpu.memory_space<hbm>> -> memref<512xi32, #tpu.memory_space<hbm>>
      %dma_wait3A_52 = tpu.memref_slice %arg3[%add3A_4] : memref<98304xi32, #tpu.memory_space<hbm>> -> memref<512xi32, #tpu.memory_space<hbm>>
      tpu.wait_dma2 semaphore(%run_scoped3A : memref<!tpu.dma_semaphore, #tpu.memory_space<semaphore_mem>>) src(%dma_wait3A_52 : memref<512xi32, #tpu.memory_space<hbm>>) dst(%arg5 : memref<512xi32, #tpu.memory_space<vmem>>)
      tpu.yield
    }) : () -> ()
    %dma_start3A = arith.constant 0 : i32
    %dma_start3A_5 = arith.constant 0 : i32
    %dma_start3A_6 = tpu.memref_slice %arg2[%dma_start3A, %dma_start3A_5] : memref<16384x128xf32, #tpu.memory_space<hbm>> -> memref<16384x128xf32, #tpu.memory_space<hbm>>
    tpu.enqueue_indirect_dma source(%dma_start3A_6 : memref<16384x128xf32, #tpu.memory_space<hbm>>) target(%arg6 : memref<512x128xf32, #tpu.memory_space<vmem>>) offsets(%arg5 : memref<512xi32, #tpu.memory_space<vmem>>) semaphore(%arg7 : memref<!tpu.dma_semaphore, #tpu.memory_space<semaphore_mem>>)
    %dma_wait3A = arith.constant 0 : i32
    %dma_wait3A_7 = arith.constant 0 : i32
    %dma_wait3A_8 = tpu.memref_slice %arg2[%dma_wait3A, %dma_wait3A_7] : memref<16384x128xf32, #tpu.memory_space<hbm>> -> memref<16384x128xf32, #tpu.memory_space<hbm>>
    tpu.wait_indirect_dma semaphore(%arg7 : memref<!tpu.dma_semaphore, #tpu.memory_space<semaphore_mem>>) src(%dma_wait3A_8 : memref<16384x128xf32, #tpu.memory_space<hbm>>) dst(%arg6 : memref<512x128xf32, #tpu.memory_space<vmem>>)
    "tpu.region"() ({
      %run_scoped3A = tpu.sem_alloc : memref<!tpu.dma_semaphore, #tpu.memory_space<semaphore_mem>>
      %dma_start3A_49 = arith.constant 0 : i32
      %dma_start3A_50 = tpu.memref_slice %arg4[%add3A_4, %dma_start3A_49] : memref<98304x128xf32, #tpu.memory_space<hbm>> -> memref<512x128xf32, #tpu.memory_space<hbm>>
      %dma_start3A_51 = arith.constant 0 : i32
      %dma_start3A_52 = tpu.memref_slice %arg4[%add3A_4, %dma_start3A_51] : memref<98304x128xf32, #tpu.memory_space<hbm>> -> memref<512x128xf32, #tpu.memory_space<hbm>>
      tpu.enqueue_dma source(%arg6 : memref<512x128xf32, #tpu.memory_space<vmem>>) target(%dma_start3A_52 : memref<512x128xf32, #tpu.memory_space<hbm>>) target_semaphore(%run_scoped3A : memref<!tpu.dma_semaphore, #tpu.memory_space<semaphore_mem>>)
      %dma_wait3A_53 = arith.constant 0 : i32
      %dma_wait3A_54 = tpu.memref_slice %arg4[%add3A_4, %dma_wait3A_53] : memref<98304x128xf32, #tpu.memory_space<hbm>> -> memref<512x128xf32, #tpu.memory_space<hbm>>
      %dma_wait3A_55 = arith.constant 0 : i32
      %dma_wait3A_56 = tpu.memref_slice %arg4[%add3A_4, %dma_wait3A_55] : memref<98304x128xf32, #tpu.memory_space<hbm>> -> memref<512x128xf32, #tpu.memory_space<hbm>>
      tpu.wait_dma2 semaphore(%run_scoped3A : memref<!tpu.dma_semaphore, #tpu.memory_space<semaphore_mem>>) src(%arg6 : memref<512x128xf32, #tpu.memory_space<vmem>>) dst(%dma_wait3A_56 : memref<512x128xf32, #tpu.memory_space<hbm>>)
      tpu.yield
    }) : () -> ()
    %add3A_9 = arith.constant 512 : i32
    %add3A_10 = arith.addi %mul3A_2, %add3A_9 : i32
    "tpu.region"() ({
      %run_scoped3A = tpu.sem_alloc : memref<!tpu.dma_semaphore, #tpu.memory_space<semaphore_mem>>
      %dma_start3A_49 = tpu.memref_slice %arg3[%add3A_10] : memref<98304xi32, #tpu.memory_space<hbm>> -> memref<512xi32, #tpu.memory_space<hbm>>
      %dma_start3A_50 = tpu.memref_slice %arg3[%add3A_10] : memref<98304xi32, #tpu.memory_space<hbm>> -> memref<512xi32, #tpu.memory_space<hbm>>
      tpu.enqueue_dma source(%dma_start3A_50 : memref<512xi32, #tpu.memory_space<hbm>>) target(%arg5 : memref<512xi32, #tpu.memory_space<vmem>>) target_semaphore(%run_scoped3A : memref<!tpu.dma_semaphore, #tpu.memory_space<semaphore_mem>>)
      %dma_wait3A_51 = tpu.memref_slice %arg3[%add3A_10] : memref<98304xi32, #tpu.memory_space<hbm>> -> memref<512xi32, #tpu.memory_space<hbm>>
      %dma_wait3A_52 = tpu.memref_slice %arg3[%add3A_10] : memref<98304xi32, #tpu.memory_space<hbm>> -> memref<512xi32, #tpu.memory_space<hbm>>
      tpu.wait_dma2 semaphore(%run_scoped3A : memref<!tpu.dma_semaphore, #tpu.memory_space<semaphore_mem>>) src(%dma_wait3A_52 : memref<512xi32, #tpu.memory_space<hbm>>) dst(%arg5 : memref<512xi32, #tpu.memory_space<vmem>>)
      tpu.yield
    }) : () -> ()
    %dma_start3A_11 = arith.constant 0 : i32
    %dma_start3A_12 = arith.constant 0 : i32
    %dma_start3A_13 = tpu.memref_slice %arg2[%dma_start3A_11, %dma_start3A_12] : memref<16384x128xf32, #tpu.memory_space<hbm>> -> memref<16384x128xf32, #tpu.memory_space<hbm>>
    tpu.enqueue_indirect_dma source(%dma_start3A_13 : memref<16384x128xf32, #tpu.memory_space<hbm>>) target(%arg6 : memref<512x128xf32, #tpu.memory_space<vmem>>) offsets(%arg5 : memref<512xi32, #tpu.memory_space<vmem>>) semaphore(%arg7 : memref<!tpu.dma_semaphore, #tpu.memory_space<semaphore_mem>>)
    %dma_wait3A_14 = arith.constant 0 : i32
    %dma_wait3A_15 = arith.constant 0 : i32
    %dma_wait3A_16 = tpu.memref_slice %arg2[%dma_wait3A_14, %dma_wait3A_15] : memref<16384x128xf32, #tpu.memory_space<hbm>> -> memref<16384x128xf32, #tpu.memory_space<hbm>>
    tpu.wait_indirect_dma semaphore(%arg7 : memref<!tpu.dma_semaphore, #tpu.memory_space<semaphore_mem>>) src(%dma_wait3A_16 : memref<16384x128xf32, #tpu.memory_space<hbm>>) dst(%arg6 : memref<512x128xf32, #tpu.memory_space<vmem>>)
    "tpu.region"() ({
      %run_scoped3A = tpu.sem_alloc : memref<!tpu.dma_semaphore, #tpu.memory_space<semaphore_mem>>
      %dma_start3A_49 = arith.constant 0 : i32
      %dma_start3A_50 = tpu.memref_slice %arg4[%add3A_10, %dma_start3A_49] : memref<98304x128xf32, #tpu.memory_space<hbm>> -> memref<512x128xf32, #tpu.memory_space<hbm>>
      %dma_start3A_51 = arith.constant 0 : i32
      %dma_start3A_52 = tpu.memref_slice %arg4[%add3A_10, %dma_start3A_51] : memref<98304x128xf32, #tpu.memory_space<hbm>> -> memref<512x128xf32, #tpu.memory_space<hbm>>
      tpu.enqueue_dma source(%arg6 : memref<512x128xf32, #tpu.memory_space<vmem>>) target(%dma_start3A_52 : memref<512x128xf32, #tpu.memory_space<hbm>>) target_semaphore(%run_scoped3A : memref<!tpu.dma_semaphore, #tpu.memory_space<semaphore_mem>>)
      %dma_wait3A_53 = arith.constant 0 : i32
      %dma_wait3A_54 = tpu.memref_slice %arg4[%add3A_10, %dma_wait3A_53] : memref<98304x128xf32, #tpu.memory_space<hbm>> -> memref<512x128xf32, #tpu.memory_space<hbm>>
      %dma_wait3A_55 = arith.constant 0 : i32
      %dma_wait3A_56 = tpu.memref_slice %arg4[%add3A_10, %dma_wait3A_55] : memref<98304x128xf32, #tpu.memory_space<hbm>> -> memref<512x128xf32, #tpu.memory_space<hbm>>
      tpu.wait_dma2 semaphore(%run_scoped3A : memref<!tpu.dma_semaphore, #tpu.memory_space<semaphore_mem>>) src(%arg6 : memref<512x128xf32, #tpu.memory_space<vmem>>) dst(%dma_wait3A_56 : memref<512x128xf32, #tpu.memory_space<hbm>>)
      tpu.yield
    }) : () -> ()
    %add3A_17 = arith.constant 1024 : i32
    %add3A_18 = arith.addi %mul3A_2, %add3A_17 : i32
    "tpu.region"() ({
      %run_scoped3A = tpu.sem_alloc : memref<!tpu.dma_semaphore, #tpu.memory_space<semaphore_mem>>
      %dma_start3A_49 = tpu.memref_slice %arg3[%add3A_18] : memref<98304xi32, #tpu.memory_space<hbm>> -> memref<512xi32, #tpu.memory_space<hbm>>
      %dma_start3A_50 = tpu.memref_slice %arg3[%add3A_18] : memref<98304xi32, #tpu.memory_space<hbm>> -> memref<512xi32, #tpu.memory_space<hbm>>
      tpu.enqueue_dma source(%dma_start3A_50 : memref<512xi32, #tpu.memory_space<hbm>>) target(%arg5 : memref<512xi32, #tpu.memory_space<vmem>>) target_semaphore(%run_scoped3A : memref<!tpu.dma_semaphore, #tpu.memory_space<semaphore_mem>>)
      %dma_wait3A_51 = tpu.memref_slice %arg3[%add3A_18] : memref<98304xi32, #tpu.memory_space<hbm>> -> memref<512xi32, #tpu.memory_space<hbm>>
      %dma_wait3A_52 = tpu.memref_slice %arg3[%add3A_18] : memref<98304xi32, #tpu.memory_space<hbm>> -> memref<512xi32, #tpu.memory_space<hbm>>
      tpu.wait_dma2 semaphore(%run_scoped3A : memref<!tpu.dma_semaphore, #tpu.memory_space<semaphore_mem>>) src(%dma_wait3A_52 : memref<512xi32, #tpu.memory_space<hbm>>) dst(%arg5 : memref<512xi32, #tpu.memory_space<vmem>>)
      tpu.yield
    }) : () -> ()
    %dma_start3A_19 = arith.constant 0 : i32
    %dma_start3A_20 = arith.constant 0 : i32
    %dma_start3A_21 = tpu.memref_slice %arg2[%dma_start3A_19, %dma_start3A_20] : memref<16384x128xf32, #tpu.memory_space<hbm>> -> memref<16384x128xf32, #tpu.memory_space<hbm>>
    tpu.enqueue_indirect_dma source(%dma_start3A_21 : memref<16384x128xf32, #tpu.memory_space<hbm>>) target(%arg6 : memref<512x128xf32, #tpu.memory_space<vmem>>) offsets(%arg5 : memref<512xi32, #tpu.memory_space<vmem>>) semaphore(%arg7 : memref<!tpu.dma_semaphore, #tpu.memory_space<semaphore_mem>>)
    %dma_wait3A_22 = arith.constant 0 : i32
    %dma_wait3A_23 = arith.constant 0 : i32
    %dma_wait3A_24 = tpu.memref_slice %arg2[%dma_wait3A_22, %dma_wait3A_23] : memref<16384x128xf32, #tpu.memory_space<hbm>> -> memref<16384x128xf32, #tpu.memory_space<hbm>>
    tpu.wait_indirect_dma semaphore(%arg7 : memref<!tpu.dma_semaphore, #tpu.memory_space<semaphore_mem>>) src(%dma_wait3A_24 : memref<16384x128xf32, #tpu.memory_space<hbm>>) dst(%arg6 : memref<512x128xf32, #tpu.memory_space<vmem>>)
    "tpu.region"() ({
      %run_scoped3A = tpu.sem_alloc : memref<!tpu.dma_semaphore, #tpu.memory_space<semaphore_mem>>
      %dma_start3A_49 = arith.constant 0 : i32
      %dma_start3A_50 = tpu.memref_slice %arg4[%add3A_18, %dma_start3A_49] : memref<98304x128xf32, #tpu.memory_space<hbm>> -> memref<512x128xf32, #tpu.memory_space<hbm>>
      %dma_start3A_51 = arith.constant 0 : i32
      %dma_start3A_52 = tpu.memref_slice %arg4[%add3A_18, %dma_start3A_51] : memref<98304x128xf32, #tpu.memory_space<hbm>> -> memref<512x128xf32, #tpu.memory_space<hbm>>
      tpu.enqueue_dma source(%arg6 : memref<512x128xf32, #tpu.memory_space<vmem>>) target(%dma_start3A_52 : memref<512x128xf32, #tpu.memory_space<hbm>>) target_semaphore(%run_scoped3A : memref<!tpu.dma_semaphore, #tpu.memory_space<semaphore_mem>>)
      %dma_wait3A_53 = arith.constant 0 : i32
      %dma_wait3A_54 = tpu.memref_slice %arg4[%add3A_18, %dma_wait3A_53] : memref<98304x128xf32, #tpu.memory_space<hbm>> -> memref<512x128xf32, #tpu.memory_space<hbm>>
      %dma_wait3A_55 = arith.constant 0 : i32
      %dma_wait3A_56 = tpu.memref_slice %arg4[%add3A_18, %dma_wait3A_55] : memref<98304x128xf32, #tpu.memory_space<hbm>> -> memref<512x128xf32, #tpu.memory_space<hbm>>
      tpu.wait_dma2 semaphore(%run_scoped3A : memref<!tpu.dma_semaphore, #tpu.memory_space<semaphore_mem>>) src(%arg6 : memref<512x128xf32, #tpu.memory_space<vmem>>) dst(%dma_wait3A_56 : memref<512x128xf32, #tpu.memory_space<hbm>>)
      tpu.yield
    }) : () -> ()
    %add3A_25 = arith.constant 1536 : i32
    %add3A_26 = arith.addi %mul3A_2, %add3A_25 : i32
    "tpu.region"() ({
      %run_scoped3A = tpu.sem_alloc : memref<!tpu.dma_semaphore, #tpu.memory_space<semaphore_mem>>
      %dma_start3A_49 = tpu.memref_slice %arg3[%add3A_26] : memref<98304xi32, #tpu.memory_space<hbm>> -> memref<512xi32, #tpu.memory_space<hbm>>
      %dma_start3A_50 = tpu.memref_slice %arg3[%add3A_26] : memref<98304xi32, #tpu.memory_space<hbm>> -> memref<512xi32, #tpu.memory_space<hbm>>
      tpu.enqueue_dma source(%dma_start3A_50 : memref<512xi32, #tpu.memory_space<hbm>>) target(%arg5 : memref<512xi32, #tpu.memory_space<vmem>>) target_semaphore(%run_scoped3A : memref<!tpu.dma_semaphore, #tpu.memory_space<semaphore_mem>>)
      %dma_wait3A_51 = tpu.memref_slice %arg3[%add3A_26] : memref<98304xi32, #tpu.memory_space<hbm>> -> memref<512xi32, #tpu.memory_space<hbm>>
      %dma_wait3A_52 = tpu.memref_slice %arg3[%add3A_26] : memref<98304xi32, #tpu.memory_space<hbm>> -> memref<512xi32, #tpu.memory_space<hbm>>
      tpu.wait_dma2 semaphore(%run_scoped3A : memref<!tpu.dma_semaphore, #tpu.memory_space<semaphore_mem>>) src(%dma_wait3A_52 : memref<512xi32, #tpu.memory_space<hbm>>) dst(%arg5 : memref<512xi32, #tpu.memory_space<vmem>>)
      tpu.yield
    }) : () -> ()
    %dma_start3A_27 = arith.constant 0 : i32
    %dma_start3A_28 = arith.constant 0 : i32
    %dma_start3A_29 = tpu.memref_slice %arg2[%dma_start3A_27, %dma_start3A_28] : memref<16384x128xf32, #tpu.memory_space<hbm>> -> memref<16384x128xf32, #tpu.memory_space<hbm>>
    tpu.enqueue_indirect_dma source(%dma_start3A_29 : memref<16384x128xf32, #tpu.memory_space<hbm>>) target(%arg6 : memref<512x128xf32, #tpu.memory_space<vmem>>) offsets(%arg5 : memref<512xi32, #tpu.memory_space<vmem>>) semaphore(%arg7 : memref<!tpu.dma_semaphore, #tpu.memory_space<semaphore_mem>>)
    %dma_wait3A_30 = arith.constant 0 : i32
    %dma_wait3A_31 = arith.constant 0 : i32
    %dma_wait3A_32 = tpu.memref_slice %arg2[%dma_wait3A_30, %dma_wait3A_31] : memref<16384x128xf32, #tpu.memory_space<hbm>> -> memref<16384x128xf32, #tpu.memory_space<hbm>>
    tpu.wait_indirect_dma semaphore(%arg7 : memref<!tpu.dma_semaphore, #tpu.memory_space<semaphore_mem>>) src(%dma_wait3A_32 : memref<16384x128xf32, #tpu.memory_space<hbm>>) dst(%arg6 : memref<512x128xf32, #tpu.memory_space<vmem>>)
    "tpu.region"() ({
      %run_scoped3A = tpu.sem_alloc : memref<!tpu.dma_semaphore, #tpu.memory_space<semaphore_mem>>
      %dma_start3A_49 = arith.constant 0 : i32
      %dma_start3A_50 = tpu.memref_slice %arg4[%add3A_26, %dma_start3A_49] : memref<98304x128xf32, #tpu.memory_space<hbm>> -> memref<512x128xf32, #tpu.memory_space<hbm>>
      %dma_start3A_51 = arith.constant 0 : i32
      %dma_start3A_52 = tpu.memref_slice %arg4[%add3A_26, %dma_start3A_51] : memref<98304x128xf32, #tpu.memory_space<hbm>> -> memref<512x128xf32, #tpu.memory_space<hbm>>
      tpu.enqueue_dma source(%arg6 : memref<512x128xf32, #tpu.memory_space<vmem>>) target(%dma_start3A_52 : memref<512x128xf32, #tpu.memory_space<hbm>>) target_semaphore(%run_scoped3A : memref<!tpu.dma_semaphore, #tpu.memory_space<semaphore_mem>>)
      %dma_wait3A_53 = arith.constant 0 : i32
      %dma_wait3A_54 = tpu.memref_slice %arg4[%add3A_26, %dma_wait3A_53] : memref<98304x128xf32, #tpu.memory_space<hbm>> -> memref<512x128xf32, #tpu.memory_space<hbm>>
      %dma_wait3A_55 = arith.constant 0 : i32
      %dma_wait3A_56 = tpu.memref_slice %arg4[%add3A_26, %dma_wait3A_55] : memref<98304x128xf32, #tpu.memory_space<hbm>> -> memref<512x128xf32, #tpu.memory_space<hbm>>
      tpu.wait_dma2 semaphore(%run_scoped3A : memref<!tpu.dma_semaphore, #tpu.memory_space<semaphore_mem>>) src(%arg6 : memref<512x128xf32, #tpu.memory_space<vmem>>) dst(%dma_wait3A_56 : memref<512x128xf32, #tpu.memory_space<hbm>>)
      tpu.yield
    }) : () -> ()
    %add3A_33 = arith.constant 2048 : i32
    %add3A_34 = arith.addi %mul3A_2, %add3A_33 : i32
    "tpu.region"() ({
      %run_scoped3A = tpu.sem_alloc : memref<!tpu.dma_semaphore, #tpu.memory_space<semaphore_mem>>
      %dma_start3A_49 = tpu.memref_slice %arg3[%add3A_34] : memref<98304xi32, #tpu.memory_space<hbm>> -> memref<512xi32, #tpu.memory_space<hbm>>
      %dma_start3A_50 = tpu.memref_slice %arg3[%add3A_34] : memref<98304xi32, #tpu.memory_space<hbm>> -> memref<512xi32, #tpu.memory_space<hbm>>
      tpu.enqueue_dma source(%dma_start3A_50 : memref<512xi32, #tpu.memory_space<hbm>>) target(%arg5 : memref<512xi32, #tpu.memory_space<vmem>>) target_semaphore(%run_scoped3A : memref<!tpu.dma_semaphore, #tpu.memory_space<semaphore_mem>>)
      %dma_wait3A_51 = tpu.memref_slice %arg3[%add3A_34] : memref<98304xi32, #tpu.memory_space<hbm>> -> memref<512xi32, #tpu.memory_space<hbm>>
      %dma_wait3A_52 = tpu.memref_slice %arg3[%add3A_34] : memref<98304xi32, #tpu.memory_space<hbm>> -> memref<512xi32, #tpu.memory_space<hbm>>
      tpu.wait_dma2 semaphore(%run_scoped3A : memref<!tpu.dma_semaphore, #tpu.memory_space<semaphore_mem>>) src(%dma_wait3A_52 : memref<512xi32, #tpu.memory_space<hbm>>) dst(%arg5 : memref<512xi32, #tpu.memory_space<vmem>>)
      tpu.yield
    }) : () -> ()
    %dma_start3A_35 = arith.constant 0 : i32
    %dma_start3A_36 = arith.constant 0 : i32
    %dma_start3A_37 = tpu.memref_slice %arg2[%dma_start3A_35, %dma_start3A_36] : memref<16384x128xf32, #tpu.memory_space<hbm>> -> memref<16384x128xf32, #tpu.memory_space<hbm>>
    tpu.enqueue_indirect_dma source(%dma_start3A_37 : memref<16384x128xf32, #tpu.memory_space<hbm>>) target(%arg6 : memref<512x128xf32, #tpu.memory_space<vmem>>) offsets(%arg5 : memref<512xi32, #tpu.memory_space<vmem>>) semaphore(%arg7 : memref<!tpu.dma_semaphore, #tpu.memory_space<semaphore_mem>>)
    %dma_wait3A_38 = arith.constant 0 : i32
    %dma_wait3A_39 = arith.constant 0 : i32
    %dma_wait3A_40 = tpu.memref_slice %arg2[%dma_wait3A_38, %dma_wait3A_39] : memref<16384x128xf32, #tpu.memory_space<hbm>> -> memref<16384x128xf32, #tpu.memory_space<hbm>>
    tpu.wait_indirect_dma semaphore(%arg7 : memref<!tpu.dma_semaphore, #tpu.memory_space<semaphore_mem>>) src(%dma_wait3A_40 : memref<16384x128xf32, #tpu.memory_space<hbm>>) dst(%arg6 : memref<512x128xf32, #tpu.memory_space<vmem>>)
    "tpu.region"() ({
      %run_scoped3A = tpu.sem_alloc : memref<!tpu.dma_semaphore, #tpu.memory_space<semaphore_mem>>
      %dma_start3A_49 = arith.constant 0 : i32
      %dma_start3A_50 = tpu.memref_slice %arg4[%add3A_34, %dma_start3A_49] : memref<98304x128xf32, #tpu.memory_space<hbm>> -> memref<512x128xf32, #tpu.memory_space<hbm>>
      %dma_start3A_51 = arith.constant 0 : i32
      %dma_start3A_52 = tpu.memref_slice %arg4[%add3A_34, %dma_start3A_51] : memref<98304x128xf32, #tpu.memory_space<hbm>> -> memref<512x128xf32, #tpu.memory_space<hbm>>
      tpu.enqueue_dma source(%arg6 : memref<512x128xf32, #tpu.memory_space<vmem>>) target(%dma_start3A_52 : memref<512x128xf32, #tpu.memory_space<hbm>>) target_semaphore(%run_scoped3A : memref<!tpu.dma_semaphore, #tpu.memory_space<semaphore_mem>>)
      %dma_wait3A_53 = arith.constant 0 : i32
      %dma_wait3A_54 = tpu.memref_slice %arg4[%add3A_34, %dma_wait3A_53] : memref<98304x128xf32, #tpu.memory_space<hbm>> -> memref<512x128xf32, #tpu.memory_space<hbm>>
      %dma_wait3A_55 = arith.constant 0 : i32
      %dma_wait3A_56 = tpu.memref_slice %arg4[%add3A_34, %dma_wait3A_55] : memref<98304x128xf32, #tpu.memory_space<hbm>> -> memref<512x128xf32, #tpu.memory_space<hbm>>
      tpu.wait_dma2 semaphore(%run_scoped3A : memref<!tpu.dma_semaphore, #tpu.memory_space<semaphore_mem>>) src(%arg6 : memref<512x128xf32, #tpu.memory_space<vmem>>) dst(%dma_wait3A_56 : memref<512x128xf32, #tpu.memory_space<hbm>>)
      tpu.yield
    }) : () -> ()
    %add3A_41 = arith.constant 2560 : i32
    %add3A_42 = arith.addi %mul3A_2, %add3A_41 : i32
    "tpu.region"() ({
      %run_scoped3A = tpu.sem_alloc : memref<!tpu.dma_semaphore, #tpu.memory_space<semaphore_mem>>
      %dma_start3A_49 = tpu.memref_slice %arg3[%add3A_42] : memref<98304xi32, #tpu.memory_space<hbm>> -> memref<512xi32, #tpu.memory_space<hbm>>
      %dma_start3A_50 = tpu.memref_slice %arg3[%add3A_42] : memref<98304xi32, #tpu.memory_space<hbm>> -> memref<512xi32, #tpu.memory_space<hbm>>
      tpu.enqueue_dma source(%dma_start3A_50 : memref<512xi32, #tpu.memory_space<hbm>>) target(%arg5 : memref<512xi32, #tpu.memory_space<vmem>>) target_semaphore(%run_scoped3A : memref<!tpu.dma_semaphore, #tpu.memory_space<semaphore_mem>>)
      %dma_wait3A_51 = tpu.memref_slice %arg3[%add3A_42] : memref<98304xi32, #tpu.memory_space<hbm>> -> memref<512xi32, #tpu.memory_space<hbm>>
      %dma_wait3A_52 = tpu.memref_slice %arg3[%add3A_42] : memref<98304xi32, #tpu.memory_space<hbm>> -> memref<512xi32, #tpu.memory_space<hbm>>
      tpu.wait_dma2 semaphore(%run_scoped3A : memref<!tpu.dma_semaphore, #tpu.memory_space<semaphore_mem>>) src(%dma_wait3A_52 : memref<512xi32, #tpu.memory_space<hbm>>) dst(%arg5 : memref<512xi32, #tpu.memory_space<vmem>>)
      tpu.yield
    }) : () -> ()
    %dma_start3A_43 = arith.constant 0 : i32
    %dma_start3A_44 = arith.constant 0 : i32
    %dma_start3A_45 = tpu.memref_slice %arg2[%dma_start3A_43, %dma_start3A_44] : memref<16384x128xf32, #tpu.memory_space<hbm>> -> memref<16384x128xf32, #tpu.memory_space<hbm>>
    tpu.enqueue_indirect_dma source(%dma_start3A_45 : memref<16384x128xf32, #tpu.memory_space<hbm>>) target(%arg6 : memref<512x128xf32, #tpu.memory_space<vmem>>) offsets(%arg5 : memref<512xi32, #tpu.memory_space<vmem>>) semaphore(%arg7 : memref<!tpu.dma_semaphore, #tpu.memory_space<semaphore_mem>>)
    %dma_wait3A_46 = arith.constant 0 : i32
    %dma_wait3A_47 = arith.constant 0 : i32
    %dma_wait3A_48 = tpu.memref_slice %arg2[%dma_wait3A_46, %dma_wait3A_47] : memref<16384x128xf32, #tpu.memory_space<hbm>> -> memref<16384x128xf32, #tpu.memory_space<hbm>>
    tpu.wait_indirect_dma semaphore(%arg7 : memref<!tpu.dma_semaphore, #tpu.memory_space<semaphore_mem>>) src(%dma_wait3A_48 : memref<16384x128xf32, #tpu.memory_space<hbm>>) dst(%arg6 : memref<512x128xf32, #tpu.memory_space<vmem>>)
    "tpu.region"() ({
      %run_scoped3A = tpu.sem_alloc : memref<!tpu.dma_semaphore, #tpu.memory_space<semaphore_mem>>
      %dma_start3A_49 = arith.constant 0 : i32
      %dma_start3A_50 = tpu.memref_slice %arg4[%add3A_42, %dma_start3A_49] : memref<98304x128xf32, #tpu.memory_space<hbm>> -> memref<512x128xf32, #tpu.memory_space<hbm>>
      %dma_start3A_51 = arith.constant 0 : i32
      %dma_start3A_52 = tpu.memref_slice %arg4[%add3A_42, %dma_start3A_51] : memref<98304x128xf32, #tpu.memory_space<hbm>> -> memref<512x128xf32, #tpu.memory_space<hbm>>
      tpu.enqueue_dma source(%arg6 : memref<512x128xf32, #tpu.memory_space<vmem>>) target(%dma_start3A_52 : memref<512x128xf32, #tpu.memory_space<hbm>>) target_semaphore(%run_scoped3A : memref<!tpu.dma_semaphore, #tpu.memory_space<semaphore_mem>>)
      %dma_wait3A_53 = arith.constant 0 : i32
      %dma_wait3A_54 = tpu.memref_slice %arg4[%add3A_42, %dma_wait3A_53] : memref<98304x128xf32, #tpu.memory_space<hbm>> -> memref<512x128xf32, #tpu.memory_space<hbm>>
      %dma_wait3A_55 = arith.constant 0 : i32
      %dma_wait3A_56 = tpu.memref_slice %arg4[%add3A_42, %dma_wait3A_55] : memref<98304x128xf32, #tpu.memory_space<hbm>> -> memref<512x128xf32, #tpu.memory_space<hbm>>
      tpu.wait_dma2 semaphore(%run_scoped3A : memref<!tpu.dma_semaphore, #tpu.memory_space<semaphore_mem>>) src(%arg6 : memref<512x128xf32, #tpu.memory_space<vmem>>) dst(%dma_wait3A_56 : memref<512x128xf32, #tpu.memory_space<hbm>>)
      tpu.yield
    }) : () -> ()
    return
  }
}

module attributes {stable_mosaic.version = 14 : i64} {
  func.func @_topk_kernel(%arg0: i32, %arg1: i32, %arg2: memref<1x4096x64xf32, #tpu.memory_space<vmem>>, %arg3: memref<1x128x6xf32, #tpu.memory_space<vmem>>, %arg4: memref<1x128x6xi32, #tpu.memory_space<vmem>>) attributes {dimension_semantics = [#tpu.dimension_semantics<arbitrary>, #tpu.dimension_semantics<arbitrary>], iteration_bounds = array<i64: 4, 32>, scalar_prefetch = 0 : i64, scratch_operands = 0 : i64, tpu.core_type = #tpu.core_type<tc>, window_params = [{transform_indices = @transform_0, window_bounds = array<i64: 1, 4096, 64>}, {transform_indices = @transform_1, window_bounds = array<i64: 1, 128, 6>}, {transform_indices = @transform_2, window_bounds = array<i64: 1, 128, 6>}]} {
    %get3A = arith.constant 0 : index
    %get3A_0 = arith.constant 0 : index
    %get3A_1 = arith.constant 0 : index
    %get3A_2 = vector.load %arg2[%get3A, %get3A_0, %get3A_1] : memref<1x4096x64xf32, #tpu.memory_space<vmem>>, vector<1x4096x64xf32>
    %get3A_3 = vector.shape_cast %get3A_2 : vector<1x4096x64xf32> to vector<4096x64xf32>
    %mul3A = arith.constant 128 : i32
    %mul3A_4 = arith.muli %arg1, %mul3A : i32
    %get3A_5 = arith.constant 0 : index
    %get3A_6 = arith.index_cast %mul3A_4 : i32 to index
    %get3A_7 = arith.constant 0 : index
    %get3A_8 = vector.load %arg2[%get3A_5, %get3A_6, %get3A_7] : memref<1x4096x64xf32, #tpu.memory_space<vmem>>, vector<1x128x64xf32>
    %get3A_9 = vector.shape_cast %get3A_8 : vector<1x128x64xf32> to vector<128x64xf32>
    %dot_general3A = arith.constant dense<0.000000e+00> : vector<128x4096xf32>
    %dot_general3A_10 = tpu.matmul %get3A_9, %get3A_3, %dot_general3A {dimension_numbers = #tpu.dot_dimension_numbers<[1], [1], [0], [0], [0, 0, 1, 0], [], []>, transpose_lhs_hint = false} : vector<128x64xf32>, vector<4096x64xf32>, vector<128x4096xf32> -> vector<128x4096xf32>
    %iota3A = tpu.iota {dimensions = array<i32: 1>} : vector<128x4096xi32>
    %mul3A_11 = arith.constant 128 : i32
    %mul3A_12 = arith.muli %arg1, %mul3A_11 : i32
    %iota3A_13 = tpu.iota {dimensions = array<i32: 0>} : vector<128x4096xi32>
    %add3A = vector.broadcast %mul3A_12 : i32 to vector<128x4096xi32>
    %add3A_14 = arith.addi %add3A, %iota3A_13 : vector<128x4096xi32>
    %eq3A = arith.cmpi eq, %iota3A, %add3A_14 : vector<128x4096xi32>
    %jit3A = arith.constant -1.000000e+09 : f32
    %broadcast_in_dim3A = vector.broadcast %jit3A : f32 to vector<128x4096xf32>
    %select_n3A = arith.select %eq3A, %broadcast_in_dim3A, %dot_general3A_10 : vector<128x4096xi1>, vector<128x4096xf32>
    %iota3A_15 = tpu.iota {dimensions = array<i32: 1>} : vector<128x6xi32>
    %broadcast_in_dim3A_16 = arith.constant 0.000000e+00 : f32
    %broadcast_in_dim3A_17 = vector.broadcast %broadcast_in_dim3A_16 : f32 to vector<128x6xf32>
    %broadcast_in_dim3A_18 = arith.constant 0 : i32
    %broadcast_in_dim3A_19 = vector.broadcast %broadcast_in_dim3A_18 : i32 to vector<128x6xi32>
    %reduce_max3A = arith.constant dense<0xFF800000> : vector<128xf32>
    %reduce_max3A_20 = vector.multi_reduction <maximumf>, %select_n3A, %reduce_max3A [1] : vector<128x4096xf32> to vector<128xf32>
    %broadcast_in_dim3A_21 = vector.shape_cast %reduce_max3A_20 : vector<128xf32> to vector<128x1xf32>
    %eq3A_22 = arith.constant 0 : i32
    %eq3A_23 = vector.broadcast %eq3A_22 : i32 to vector<128x6xi32>
    %eq3A_24 = arith.cmpi eq, %iota3A_15, %eq3A_23 : vector<128x6xi32>
    %broadcast_in_dim3A_25 = vector.shape_cast %broadcast_in_dim3A_21 : vector<128x1xf32> to vector<128x1xf32>
    %broadcast_in_dim3A_26 = vector.broadcast %broadcast_in_dim3A_25 : vector<128x1xf32> to vector<128x6xf32>
    %select_n3A_27 = arith.select %eq3A_24, %broadcast_in_dim3A_26, %broadcast_in_dim3A_17 : vector<128x6xi1>, vector<128x6xf32>
    %eq3A_28 = vector.broadcast %broadcast_in_dim3A_21 : vector<128x1xf32> to vector<128x4096xf32>
    %eq3A_29 = arith.cmpf oeq, %select_n3A, %eq3A_28 : vector<128x4096xf32>
    %jit3A_30 = arith.constant 4096 : i32
    %broadcast_in_dim3A_31 = vector.broadcast %jit3A_30 : i32 to vector<128x4096xi32>
    %select_n3A_32 = arith.select %eq3A_29, %iota3A, %broadcast_in_dim3A_31 : vector<128x4096xi1>, vector<128x4096xi32>
    %reduce_min3A = arith.constant dense<2147483647> : vector<128xi32>
    %reduce_min3A_33 = vector.multi_reduction <minsi>, %select_n3A_32, %reduce_min3A [1] : vector<128x4096xi32> to vector<128xi32>
    %broadcast_in_dim3A_34 = vector.shape_cast %reduce_min3A_33 : vector<128xi32> to vector<128x1xi32>
    %eq3A_35 = arith.constant 0 : i32
    %eq3A_36 = vector.broadcast %eq3A_35 : i32 to vector<128x6xi32>
    %eq3A_37 = arith.cmpi eq, %iota3A_15, %eq3A_36 : vector<128x6xi32>
    %mul3A_38 = arith.constant 4096 : i32
    %mul3A_39 = arith.muli %arg0, %mul3A_38 : i32
    %add3A_40 = vector.broadcast %mul3A_39 : i32 to vector<128x1xi32>
    %add3A_41 = arith.addi %broadcast_in_dim3A_34, %add3A_40 : vector<128x1xi32>
    %broadcast_in_dim3A_42 = vector.shape_cast %add3A_41 : vector<128x1xi32> to vector<128x1xi32>
    %broadcast_in_dim3A_43 = vector.broadcast %broadcast_in_dim3A_42 : vector<128x1xi32> to vector<128x6xi32>
    %select_n3A_44 = arith.select %eq3A_37, %broadcast_in_dim3A_43, %broadcast_in_dim3A_19 : vector<128x6xi1>, vector<128x6xi32>
    %lt3A = vector.broadcast %broadcast_in_dim3A_21 : vector<128x1xf32> to vector<128x4096xf32>
    %lt3A_45 = arith.cmpf olt, %select_n3A, %lt3A : vector<128x4096xf32>
    %jit3A_46 = arith.constant 0xFF800000 : f32
    %broadcast_in_dim3A_47 = vector.broadcast %jit3A_46 : f32 to vector<128x4096xf32>
    %select_n3A_48 = arith.select %lt3A_45, %select_n3A, %broadcast_in_dim3A_47 : vector<128x4096xi1>, vector<128x4096xf32>
    %reduce_max3A_49 = arith.constant dense<0xFF800000> : vector<128xf32>
    %reduce_max3A_50 = vector.multi_reduction <maximumf>, %select_n3A_48, %reduce_max3A_49 [1] : vector<128x4096xf32> to vector<128xf32>
    %broadcast_in_dim3A_51 = vector.shape_cast %reduce_max3A_50 : vector<128xf32> to vector<128x1xf32>
    %eq3A_52 = arith.constant 1 : i32
    %eq3A_53 = vector.broadcast %eq3A_52 : i32 to vector<128x6xi32>
    %eq3A_54 = arith.cmpi eq, %iota3A_15, %eq3A_53 : vector<128x6xi32>
    %broadcast_in_dim3A_55 = vector.shape_cast %broadcast_in_dim3A_51 : vector<128x1xf32> to vector<128x1xf32>
    %broadcast_in_dim3A_56 = vector.broadcast %broadcast_in_dim3A_55 : vector<128x1xf32> to vector<128x6xf32>
    %select_n3A_57 = arith.select %eq3A_54, %broadcast_in_dim3A_56, %select_n3A_27 : vector<128x6xi1>, vector<128x6xf32>
    %eq3A_58 = vector.broadcast %broadcast_in_dim3A_51 : vector<128x1xf32> to vector<128x4096xf32>
    %eq3A_59 = arith.cmpf oeq, %select_n3A_48, %eq3A_58 : vector<128x4096xf32>
    %jit3A_60 = arith.constant 4096 : i32
    %broadcast_in_dim3A_61 = vector.broadcast %jit3A_60 : i32 to vector<128x4096xi32>
    %select_n3A_62 = arith.select %eq3A_59, %iota3A, %broadcast_in_dim3A_61 : vector<128x4096xi1>, vector<128x4096xi32>
    %reduce_min3A_63 = arith.constant dense<2147483647> : vector<128xi32>
    %reduce_min3A_64 = vector.multi_reduction <minsi>, %select_n3A_62, %reduce_min3A_63 [1] : vector<128x4096xi32> to vector<128xi32>
    %broadcast_in_dim3A_65 = vector.shape_cast %reduce_min3A_64 : vector<128xi32> to vector<128x1xi32>
    %eq3A_66 = arith.constant 1 : i32
    %eq3A_67 = vector.broadcast %eq3A_66 : i32 to vector<128x6xi32>
    %eq3A_68 = arith.cmpi eq, %iota3A_15, %eq3A_67 : vector<128x6xi32>
    %mul3A_69 = arith.constant 4096 : i32
    %mul3A_70 = arith.muli %arg0, %mul3A_69 : i32
    %add3A_71 = vector.broadcast %mul3A_70 : i32 to vector<128x1xi32>
    %add3A_72 = arith.addi %broadcast_in_dim3A_65, %add3A_71 : vector<128x1xi32>
    %broadcast_in_dim3A_73 = vector.shape_cast %add3A_72 : vector<128x1xi32> to vector<128x1xi32>
    %broadcast_in_dim3A_74 = vector.broadcast %broadcast_in_dim3A_73 : vector<128x1xi32> to vector<128x6xi32>
    %select_n3A_75 = arith.select %eq3A_68, %broadcast_in_dim3A_74, %select_n3A_44 : vector<128x6xi1>, vector<128x6xi32>
    %lt3A_76 = vector.broadcast %broadcast_in_dim3A_51 : vector<128x1xf32> to vector<128x4096xf32>
    %lt3A_77 = arith.cmpf olt, %select_n3A, %lt3A_76 : vector<128x4096xf32>
    %jit3A_78 = arith.constant 0xFF800000 : f32
    %broadcast_in_dim3A_79 = vector.broadcast %jit3A_78 : f32 to vector<128x4096xf32>
    %select_n3A_80 = arith.select %lt3A_77, %select_n3A, %broadcast_in_dim3A_79 : vector<128x4096xi1>, vector<128x4096xf32>
    %reduce_max3A_81 = arith.constant dense<0xFF800000> : vector<128xf32>
    %reduce_max3A_82 = vector.multi_reduction <maximumf>, %select_n3A_80, %reduce_max3A_81 [1] : vector<128x4096xf32> to vector<128xf32>
    %broadcast_in_dim3A_83 = vector.shape_cast %reduce_max3A_82 : vector<128xf32> to vector<128x1xf32>
    %eq3A_84 = arith.constant 2 : i32
    %eq3A_85 = vector.broadcast %eq3A_84 : i32 to vector<128x6xi32>
    %eq3A_86 = arith.cmpi eq, %iota3A_15, %eq3A_85 : vector<128x6xi32>
    %broadcast_in_dim3A_87 = vector.shape_cast %broadcast_in_dim3A_83 : vector<128x1xf32> to vector<128x1xf32>
    %broadcast_in_dim3A_88 = vector.broadcast %broadcast_in_dim3A_87 : vector<128x1xf32> to vector<128x6xf32>
    %select_n3A_89 = arith.select %eq3A_86, %broadcast_in_dim3A_88, %select_n3A_57 : vector<128x6xi1>, vector<128x6xf32>
    %eq3A_90 = vector.broadcast %broadcast_in_dim3A_83 : vector<128x1xf32> to vector<128x4096xf32>
    %eq3A_91 = arith.cmpf oeq, %select_n3A_80, %eq3A_90 : vector<128x4096xf32>
    %jit3A_92 = arith.constant 4096 : i32
    %broadcast_in_dim3A_93 = vector.broadcast %jit3A_92 : i32 to vector<128x4096xi32>
    %select_n3A_94 = arith.select %eq3A_91, %iota3A, %broadcast_in_dim3A_93 : vector<128x4096xi1>, vector<128x4096xi32>
    %reduce_min3A_95 = arith.constant dense<2147483647> : vector<128xi32>
    %reduce_min3A_96 = vector.multi_reduction <minsi>, %select_n3A_94, %reduce_min3A_95 [1] : vector<128x4096xi32> to vector<128xi32>
    %broadcast_in_dim3A_97 = vector.shape_cast %reduce_min3A_96 : vector<128xi32> to vector<128x1xi32>
    %eq3A_98 = arith.constant 2 : i32
    %eq3A_99 = vector.broadcast %eq3A_98 : i32 to vector<128x6xi32>
    %eq3A_100 = arith.cmpi eq, %iota3A_15, %eq3A_99 : vector<128x6xi32>
    %mul3A_101 = arith.constant 4096 : i32
    %mul3A_102 = arith.muli %arg0, %mul3A_101 : i32
    %add3A_103 = vector.broadcast %mul3A_102 : i32 to vector<128x1xi32>
    %add3A_104 = arith.addi %broadcast_in_dim3A_97, %add3A_103 : vector<128x1xi32>
    %broadcast_in_dim3A_105 = vector.shape_cast %add3A_104 : vector<128x1xi32> to vector<128x1xi32>
    %broadcast_in_dim3A_106 = vector.broadcast %broadcast_in_dim3A_105 : vector<128x1xi32> to vector<128x6xi32>
    %select_n3A_107 = arith.select %eq3A_100, %broadcast_in_dim3A_106, %select_n3A_75 : vector<128x6xi1>, vector<128x6xi32>
    %lt3A_108 = vector.broadcast %broadcast_in_dim3A_83 : vector<128x1xf32> to vector<128x4096xf32>
    %lt3A_109 = arith.cmpf olt, %select_n3A, %lt3A_108 : vector<128x4096xf32>
    %jit3A_110 = arith.constant 0xFF800000 : f32
    %broadcast_in_dim3A_111 = vector.broadcast %jit3A_110 : f32 to vector<128x4096xf32>
    %select_n3A_112 = arith.select %lt3A_109, %select_n3A, %broadcast_in_dim3A_111 : vector<128x4096xi1>, vector<128x4096xf32>
    %reduce_max3A_113 = arith.constant dense<0xFF800000> : vector<128xf32>
    %reduce_max3A_114 = vector.multi_reduction <maximumf>, %select_n3A_112, %reduce_max3A_113 [1] : vector<128x4096xf32> to vector<128xf32>
    %broadcast_in_dim3A_115 = vector.shape_cast %reduce_max3A_114 : vector<128xf32> to vector<128x1xf32>
    %eq3A_116 = arith.constant 3 : i32
    %eq3A_117 = vector.broadcast %eq3A_116 : i32 to vector<128x6xi32>
    %eq3A_118 = arith.cmpi eq, %iota3A_15, %eq3A_117 : vector<128x6xi32>
    %broadcast_in_dim3A_119 = vector.shape_cast %broadcast_in_dim3A_115 : vector<128x1xf32> to vector<128x1xf32>
    %broadcast_in_dim3A_120 = vector.broadcast %broadcast_in_dim3A_119 : vector<128x1xf32> to vector<128x6xf32>
    %select_n3A_121 = arith.select %eq3A_118, %broadcast_in_dim3A_120, %select_n3A_89 : vector<128x6xi1>, vector<128x6xf32>
    %eq3A_122 = vector.broadcast %broadcast_in_dim3A_115 : vector<128x1xf32> to vector<128x4096xf32>
    %eq3A_123 = arith.cmpf oeq, %select_n3A_112, %eq3A_122 : vector<128x4096xf32>
    %jit3A_124 = arith.constant 4096 : i32
    %broadcast_in_dim3A_125 = vector.broadcast %jit3A_124 : i32 to vector<128x4096xi32>
    %select_n3A_126 = arith.select %eq3A_123, %iota3A, %broadcast_in_dim3A_125 : vector<128x4096xi1>, vector<128x4096xi32>
    %reduce_min3A_127 = arith.constant dense<2147483647> : vector<128xi32>
    %reduce_min3A_128 = vector.multi_reduction <minsi>, %select_n3A_126, %reduce_min3A_127 [1] : vector<128x4096xi32> to vector<128xi32>
    %broadcast_in_dim3A_129 = vector.shape_cast %reduce_min3A_128 : vector<128xi32> to vector<128x1xi32>
    %eq3A_130 = arith.constant 3 : i32
    %eq3A_131 = vector.broadcast %eq3A_130 : i32 to vector<128x6xi32>
    %eq3A_132 = arith.cmpi eq, %iota3A_15, %eq3A_131 : vector<128x6xi32>
    %mul3A_133 = arith.constant 4096 : i32
    %mul3A_134 = arith.muli %arg0, %mul3A_133 : i32
    %add3A_135 = vector.broadcast %mul3A_134 : i32 to vector<128x1xi32>
    %add3A_136 = arith.addi %broadcast_in_dim3A_129, %add3A_135 : vector<128x1xi32>
    %broadcast_in_dim3A_137 = vector.shape_cast %add3A_136 : vector<128x1xi32> to vector<128x1xi32>
    %broadcast_in_dim3A_138 = vector.broadcast %broadcast_in_dim3A_137 : vector<128x1xi32> to vector<128x6xi32>
    %select_n3A_139 = arith.select %eq3A_132, %broadcast_in_dim3A_138, %select_n3A_107 : vector<128x6xi1>, vector<128x6xi32>
    %lt3A_140 = vector.broadcast %broadcast_in_dim3A_115 : vector<128x1xf32> to vector<128x4096xf32>
    %lt3A_141 = arith.cmpf olt, %select_n3A, %lt3A_140 : vector<128x4096xf32>
    %jit3A_142 = arith.constant 0xFF800000 : f32
    %broadcast_in_dim3A_143 = vector.broadcast %jit3A_142 : f32 to vector<128x4096xf32>
    %select_n3A_144 = arith.select %lt3A_141, %select_n3A, %broadcast_in_dim3A_143 : vector<128x4096xi1>, vector<128x4096xf32>
    %reduce_max3A_145 = arith.constant dense<0xFF800000> : vector<128xf32>
    %reduce_max3A_146 = vector.multi_reduction <maximumf>, %select_n3A_144, %reduce_max3A_145 [1] : vector<128x4096xf32> to vector<128xf32>
    %broadcast_in_dim3A_147 = vector.shape_cast %reduce_max3A_146 : vector<128xf32> to vector<128x1xf32>
    %eq3A_148 = arith.constant 4 : i32
    %eq3A_149 = vector.broadcast %eq3A_148 : i32 to vector<128x6xi32>
    %eq3A_150 = arith.cmpi eq, %iota3A_15, %eq3A_149 : vector<128x6xi32>
    %broadcast_in_dim3A_151 = vector.shape_cast %broadcast_in_dim3A_147 : vector<128x1xf32> to vector<128x1xf32>
    %broadcast_in_dim3A_152 = vector.broadcast %broadcast_in_dim3A_151 : vector<128x1xf32> to vector<128x6xf32>
    %select_n3A_153 = arith.select %eq3A_150, %broadcast_in_dim3A_152, %select_n3A_121 : vector<128x6xi1>, vector<128x6xf32>
    %eq3A_154 = vector.broadcast %broadcast_in_dim3A_147 : vector<128x1xf32> to vector<128x4096xf32>
    %eq3A_155 = arith.cmpf oeq, %select_n3A_144, %eq3A_154 : vector<128x4096xf32>
    %jit3A_156 = arith.constant 4096 : i32
    %broadcast_in_dim3A_157 = vector.broadcast %jit3A_156 : i32 to vector<128x4096xi32>
    %select_n3A_158 = arith.select %eq3A_155, %iota3A, %broadcast_in_dim3A_157 : vector<128x4096xi1>, vector<128x4096xi32>
    %reduce_min3A_159 = arith.constant dense<2147483647> : vector<128xi32>
    %reduce_min3A_160 = vector.multi_reduction <minsi>, %select_n3A_158, %reduce_min3A_159 [1] : vector<128x4096xi32> to vector<128xi32>
    %broadcast_in_dim3A_161 = vector.shape_cast %reduce_min3A_160 : vector<128xi32> to vector<128x1xi32>
    %eq3A_162 = arith.constant 4 : i32
    %eq3A_163 = vector.broadcast %eq3A_162 : i32 to vector<128x6xi32>
    %eq3A_164 = arith.cmpi eq, %iota3A_15, %eq3A_163 : vector<128x6xi32>
    %mul3A_165 = arith.constant 4096 : i32
    %mul3A_166 = arith.muli %arg0, %mul3A_165 : i32
    %add3A_167 = vector.broadcast %mul3A_166 : i32 to vector<128x1xi32>
    %add3A_168 = arith.addi %broadcast_in_dim3A_161, %add3A_167 : vector<128x1xi32>
    %broadcast_in_dim3A_169 = vector.shape_cast %add3A_168 : vector<128x1xi32> to vector<128x1xi32>
    %broadcast_in_dim3A_170 = vector.broadcast %broadcast_in_dim3A_169 : vector<128x1xi32> to vector<128x6xi32>
    %select_n3A_171 = arith.select %eq3A_164, %broadcast_in_dim3A_170, %select_n3A_139 : vector<128x6xi1>, vector<128x6xi32>
    %lt3A_172 = vector.broadcast %broadcast_in_dim3A_147 : vector<128x1xf32> to vector<128x4096xf32>
    %lt3A_173 = arith.cmpf olt, %select_n3A, %lt3A_172 : vector<128x4096xf32>
    %jit3A_174 = arith.constant 0xFF800000 : f32
    %broadcast_in_dim3A_175 = vector.broadcast %jit3A_174 : f32 to vector<128x4096xf32>
    %select_n3A_176 = arith.select %lt3A_173, %select_n3A, %broadcast_in_dim3A_175 : vector<128x4096xi1>, vector<128x4096xf32>
    %reduce_max3A_177 = arith.constant dense<0xFF800000> : vector<128xf32>
    %reduce_max3A_178 = vector.multi_reduction <maximumf>, %select_n3A_176, %reduce_max3A_177 [1] : vector<128x4096xf32> to vector<128xf32>
    %broadcast_in_dim3A_179 = vector.shape_cast %reduce_max3A_178 : vector<128xf32> to vector<128x1xf32>
    %eq3A_180 = arith.constant 5 : i32
    %eq3A_181 = vector.broadcast %eq3A_180 : i32 to vector<128x6xi32>
    %eq3A_182 = arith.cmpi eq, %iota3A_15, %eq3A_181 : vector<128x6xi32>
    %broadcast_in_dim3A_183 = vector.shape_cast %broadcast_in_dim3A_179 : vector<128x1xf32> to vector<128x1xf32>
    %broadcast_in_dim3A_184 = vector.broadcast %broadcast_in_dim3A_183 : vector<128x1xf32> to vector<128x6xf32>
    %select_n3A_185 = arith.select %eq3A_182, %broadcast_in_dim3A_184, %select_n3A_153 : vector<128x6xi1>, vector<128x6xf32>
    %eq3A_186 = vector.broadcast %broadcast_in_dim3A_179 : vector<128x1xf32> to vector<128x4096xf32>
    %eq3A_187 = arith.cmpf oeq, %select_n3A_176, %eq3A_186 : vector<128x4096xf32>
    %jit3A_188 = arith.constant 4096 : i32
    %broadcast_in_dim3A_189 = vector.broadcast %jit3A_188 : i32 to vector<128x4096xi32>
    %select_n3A_190 = arith.select %eq3A_187, %iota3A, %broadcast_in_dim3A_189 : vector<128x4096xi1>, vector<128x4096xi32>
    %reduce_min3A_191 = arith.constant dense<2147483647> : vector<128xi32>
    %reduce_min3A_192 = vector.multi_reduction <minsi>, %select_n3A_190, %reduce_min3A_191 [1] : vector<128x4096xi32> to vector<128xi32>
    %broadcast_in_dim3A_193 = vector.shape_cast %reduce_min3A_192 : vector<128xi32> to vector<128x1xi32>
    %eq3A_194 = arith.constant 5 : i32
    %eq3A_195 = vector.broadcast %eq3A_194 : i32 to vector<128x6xi32>
    %eq3A_196 = arith.cmpi eq, %iota3A_15, %eq3A_195 : vector<128x6xi32>
    %mul3A_197 = arith.constant 4096 : i32
    %mul3A_198 = arith.muli %arg0, %mul3A_197 : i32
    %add3A_199 = vector.broadcast %mul3A_198 : i32 to vector<128x1xi32>
    %add3A_200 = arith.addi %broadcast_in_dim3A_193, %add3A_199 : vector<128x1xi32>
    %broadcast_in_dim3A_201 = vector.shape_cast %add3A_200 : vector<128x1xi32> to vector<128x1xi32>
    %broadcast_in_dim3A_202 = vector.broadcast %broadcast_in_dim3A_201 : vector<128x1xi32> to vector<128x6xi32>
    %select_n3A_203 = arith.select %eq3A_196, %broadcast_in_dim3A_202, %select_n3A_171 : vector<128x6xi1>, vector<128x6xi32>
    %swap3A = arith.constant 0 : index
    %swap3A_204 = arith.constant 0 : index
    %swap3A_205 = arith.constant 0 : index
    %swap3A_206 = vector.load %arg3[%swap3A, %swap3A_204, %swap3A_205] : memref<1x128x6xf32, #tpu.memory_space<vmem>>, vector<1x128x6xf32>
    %swap3A_207 = vector.shape_cast %swap3A_206 : vector<1x128x6xf32> to vector<128x6xf32>
    %swap3A_208 = vector.shape_cast %select_n3A_185 : vector<128x6xf32> to vector<1x128x6xf32>
    tpu.vector_store %arg3[%swap3A, %swap3A_204, %swap3A_205], %swap3A_208 {strides = array<i32>} : memref<1x128x6xf32, #tpu.memory_space<vmem>>, vector<1x128x6xf32>,
    %swap3A_209 = arith.constant 0 : index
    %swap3A_210 = arith.constant 0 : index
    %swap3A_211 = arith.constant 0 : index
    %swap3A_212 = vector.load %arg4[%swap3A_209, %swap3A_210, %swap3A_211] : memref<1x128x6xi32, #tpu.memory_space<vmem>>, vector<1x128x6xi32>
    %swap3A_213 = vector.shape_cast %swap3A_212 : vector<1x128x6xi32> to vector<128x6xi32>
    %swap3A_214 = vector.shape_cast %select_n3A_203 : vector<128x6xi32> to vector<1x128x6xi32>
    tpu.vector_store %arg4[%swap3A_209, %swap3A_210, %swap3A_211], %swap3A_214 {strides = array<i32>} : memref<1x128x6xi32, #tpu.memory_space<vmem>>, vector<1x128x6xi32>,
    return
  }
  func.func @transform_0(%arg0: i32, %arg1: i32) -> (i32, i32, i32) {
    %c0_i32 = arith.constant 0 : i32
    %c0_i32_0 = arith.constant 0 : i32
    %c0_i32_1 = arith.constant 0 : i32
    return %arg0, %c0_i32, %c0_i32_0 : i32, i32, i32
  }
  func.func @transform_1(%arg0: i32, %arg1: i32) -> (i32, i32, i32) {
    %c0_i32 = arith.constant 0 : i32
    %c0_i32_0 = arith.constant 0 : i32
    return %arg0, %arg1, %c0_i32 : i32, i32, i32
  }
  func.func @transform_2(%arg0: i32, %arg1: i32) -> (i32, i32, i32) {
    %c0_i32 = arith.constant 0 : i32
    %c0_i32_0 = arith.constant 0 : i32
    return %arg0, %arg1, %c0_i32 : i32, i32, i32
  }
}

module attributes {stable_mosaic.version = 14 : i64} {
  func.func @_nodes_kernel(%arg0: i32, %arg1: memref<1x4096x128xf32, #tpu.memory_space<vmem>>, %arg2: memref<64x128xf32, #tpu.memory_space<vmem>>, %arg3: memref<1x64xf32, #tpu.memory_space<vmem>>, %arg4: memref<1x4096x64xf32, #tpu.memory_space<vmem>>) attributes {dimension_semantics = [#tpu.dimension_semantics<arbitrary>], iteration_bounds = array<i64: 4>, scalar_prefetch = 0 : i64, scratch_operands = 0 : i64, tpu.core_type = #tpu.core_type<tc>, window_params = [{transform_indices = @transform_0, window_bounds = array<i64: 1, 4096, 128>}, {pipeline_mode = #tpu.pipeline_mode<synchronous>, transform_indices = @transform_1, window_bounds = array<i64: 64, 128>}, {pipeline_mode = #tpu.pipeline_mode<synchronous>, transform_indices = @transform_2, window_bounds = array<i64: 1, 64>}, {transform_indices = @transform_3, window_bounds = array<i64: 1, 4096, 64>}]} {
    %get3A = arith.constant 0 : index
    %get3A_0 = arith.constant 0 : index
    %get3A_1 = arith.constant 0 : index
    %get3A_2 = vector.load %arg1[%get3A, %get3A_0, %get3A_1] : memref<1x4096x128xf32, #tpu.memory_space<vmem>>, vector<1x4096x128xf32>
    %get3A_3 = vector.shape_cast %get3A_2 : vector<1x4096x128xf32> to vector<4096x128xf32>
    %get3A_4 = arith.constant 0 : index
    %get3A_5 = arith.constant 0 : index
    %get3A_6 = vector.load %arg2[%get3A_4, %get3A_5] : memref<64x128xf32, #tpu.memory_space<vmem>>, vector<64x128xf32>
    %dot_general3A = arith.constant dense<0.000000e+00> : vector<4096x64xf32>
    %dot_general3A_7 = tpu.matmul %get3A_3, %get3A_6, %dot_general3A {dimension_numbers = #tpu.dot_dimension_numbers<[1], [1], [0], [0], [0, 0, 1, 0], [], []>, transpose_lhs_hint = false} : vector<4096x128xf32>, vector<64x128xf32>, vector<4096x64xf32> -> vector<4096x64xf32>
    %get3A_8 = arith.constant 0 : index
    %get3A_9 = arith.constant 0 : index
    %get3A_10 = vector.load %arg3[%get3A_8, %get3A_9] : memref<1x64xf32, #tpu.memory_space<vmem>>, vector<1x64xf32>
    %add3A = vector.broadcast %get3A_10 : vector<1x64xf32> to vector<4096x64xf32>
    %add3A_11 = arith.addf %dot_general3A_7, %add3A : vector<4096x64xf32>
    %swap3A = arith.constant 0 : index
    %swap3A_12 = arith.constant 0 : index
    %swap3A_13 = arith.constant 0 : index
    %swap3A_14 = vector.load %arg4[%swap3A, %swap3A_12, %swap3A_13] : memref<1x4096x64xf32, #tpu.memory_space<vmem>>, vector<1x4096x64xf32>
    %swap3A_15 = vector.shape_cast %swap3A_14 : vector<1x4096x64xf32> to vector<4096x64xf32>
    %swap3A_16 = vector.shape_cast %add3A_11 : vector<4096x64xf32> to vector<1x4096x64xf32>
    tpu.vector_store %arg4[%swap3A, %swap3A_12, %swap3A_13], %swap3A_16 {strides = array<i32>} : memref<1x4096x64xf32, #tpu.memory_space<vmem>>, vector<1x4096x64xf32>,
    return
  }
  func.func @transform_0(%arg0: i32) -> (i32, i32, i32) {
    %c0_i32 = arith.constant 0 : i32
    %c0_i32_0 = arith.constant 0 : i32
    %c0_i32_1 = arith.constant 0 : i32
    return %arg0, %c0_i32, %c0_i32_0 : i32, i32, i32
  }
  func.func @transform_1(%arg0: i32) -> (i32, i32) {
    %c0_i32 = arith.constant 0 : i32
    %c0_i32_0 = arith.constant 0 : i32
    %c0_i32_1 = arith.constant 0 : i32
    return %c0_i32, %c0_i32_0 : i32, i32
  }
  func.func @transform_2(%arg0: i32) -> (i32, i32) {
    %c0_i32 = arith.constant 0 : i32
    %c0_i32_0 = arith.constant 0 : i32
    %c0_i32_1 = arith.constant 0 : i32
    return %c0_i32, %c0_i32_0 : i32, i32
  }
  func.func @transform_3(%arg0: i32) -> (i32, i32, i32) {
    %c0_i32 = arith.constant 0 : i32
    %c0_i32_0 = arith.constant 0 : i32
    %c0_i32_1 = arith.constant 0 : i32
    return %arg0, %c0_i32, %c0_i32_0 : i32, i32, i32
  }
}

module attributes {stable_mosaic.version = 14 : i64} {
  func.func @_mean_mlp_kernel(%arg0: i32, %arg1: i32, %arg2: memref<1x128x768xf32, #tpu.memory_space<vmem>>, %arg3: memref<1x128x64xf32, #tpu.memory_space<vmem>>, %arg4: memref<64x64xf32, #tpu.memory_space<vmem>>, %arg5: memref<1x64xf32, #tpu.memory_space<vmem>>, %arg6: memref<128x64xf32, #tpu.memory_space<vmem>>, %arg7: memref<1x128xf32, #tpu.memory_space<vmem>>, %arg8: memref<1x128x128xf32, #tpu.memory_space<vmem>>) attributes {dimension_semantics = [#tpu.dimension_semantics<arbitrary>, #tpu.dimension_semantics<arbitrary>], iteration_bounds = array<i64: 4, 32>, scalar_prefetch = 0 : i64, scratch_operands = 0 : i64, tpu.core_type = #tpu.core_type<tc>, window_params = [{transform_indices = @transform_0, window_bounds = array<i64: 1, 128, 768>}, {transform_indices = @transform_1, window_bounds = array<i64: 1, 128, 64>}, {pipeline_mode = #tpu.pipeline_mode<synchronous>, transform_indices = @transform_2, window_bounds = array<i64: 64, 64>}, {pipeline_mode = #tpu.pipeline_mode<synchronous>, transform_indices = @transform_3, window_bounds = array<i64: 1, 64>}, {pipeline_mode = #tpu.pipeline_mode<synchronous>, transform_indices = @transform_4, window_bounds = array<i64: 128, 64>}, {pipeline_mode = #tpu.pipeline_mode<synchronous>, transform_indices = @transform_5, window_bounds = array<i64: 1, 128>}, {transform_indices = @transform_6, window_bounds = array<i64: 1, 128, 128>}]} {
    %get3A = arith.constant 0 : index
    %get3A_0 = arith.constant 0 : index
    %get3A_1 = arith.constant 0 : index
    %get3A_2 = vector.load %arg2[%get3A, %get3A_0, %get3A_1] : memref<1x128x768xf32, #tpu.memory_space<vmem>>, vector<1x128x768xf32>
    %get3A_3 = vector.shape_cast %get3A_2 : vector<1x128x768xf32> to vector<128x768xf32>
    %slice3A = vector.extract_strided_slice %get3A_3 {offsets = [0, 0], sizes = [128, 64], strides = [1, 1]} : vector<128x768xf32> to vector<128x64xf32>
    %slice3A_4 = vector.extract_strided_slice %get3A_3 {offsets = [0, 128], sizes = [128, 64], strides = [1, 1]} : vector<128x768xf32> to vector<128x64xf32>
    %add3A = arith.addf %slice3A, %slice3A_4 : vector<128x64xf32>
    %slice3A_5 = vector.extract_strided_slice %get3A_3 {offsets = [0, 256], sizes = [128, 64], strides = [1, 1]} : vector<128x768xf32> to vector<128x64xf32>
    %add3A_6 = arith.addf %add3A, %slice3A_5 : vector<128x64xf32>
    %slice3A_7 = vector.extract_strided_slice %get3A_3 {offsets = [0, 384], sizes = [128, 64], strides = [1, 1]} : vector<128x768xf32> to vector<128x64xf32>
    %add3A_8 = arith.addf %add3A_6, %slice3A_7 : vector<128x64xf32>
    %slice3A_9 = vector.extract_strided_slice %get3A_3 {offsets = [0, 512], sizes = [128, 64], strides = [1, 1]} : vector<128x768xf32> to vector<128x64xf32>
    %add3A_10 = arith.addf %add3A_8, %slice3A_9 : vector<128x64xf32>
    %slice3A_11 = vector.extract_strided_slice %get3A_3 {offsets = [0, 640], sizes = [128, 64], strides = [1, 1]} : vector<128x768xf32> to vector<128x64xf32>
    %add3A_12 = arith.addf %add3A_10, %slice3A_11 : vector<128x64xf32>
    %mul3A = arith.constant 0.166666672 : f32
    %mul3A_13 = vector.broadcast %mul3A : f32 to vector<128x64xf32>
    %mul3A_14 = arith.mulf %add3A_12, %mul3A_13 : vector<128x64xf32>
    %get3A_15 = arith.constant 0 : index
    %get3A_16 = arith.constant 0 : index
    %get3A_17 = arith.constant 0 : index
    %get3A_18 = vector.load %arg3[%get3A_15, %get3A_16, %get3A_17] : memref<1x128x64xf32, #tpu.memory_space<vmem>>, vector<1x128x64xf32>
    %get3A_19 = vector.shape_cast %get3A_18 : vector<1x128x64xf32> to vector<128x64xf32>
    %get3A_20 = arith.constant 0 : index
    %get3A_21 = arith.constant 0 : index
    %get3A_22 = vector.load %arg4[%get3A_20, %get3A_21] : memref<64x64xf32, #tpu.memory_space<vmem>>, vector<64x64xf32>
    %dot_general3A = arith.constant dense<0.000000e+00> : vector<128x64xf32>
    %dot_general3A_23 = tpu.matmul %mul3A_14, %get3A_22, %dot_general3A {dimension_numbers = #tpu.dot_dimension_numbers<[1], [1], [0], [0], [0, 0, 1, 0], [], []>, transpose_lhs_hint = false} : vector<128x64xf32>, vector<64x64xf32>, vector<128x64xf32> -> vector<128x64xf32>
    %get3A_24 = arith.constant 0 : index
    %get3A_25 = arith.constant 0 : index
    %get3A_26 = vector.load %arg5[%get3A_24, %get3A_25] : memref<1x64xf32, #tpu.memory_space<vmem>>, vector<1x64xf32>
    %add3A_27 = vector.broadcast %get3A_26 : vector<1x64xf32> to vector<128x64xf32>
    %add3A_28 = arith.addf %dot_general3A_23, %add3A_27 : vector<128x64xf32>
    %max3A = arith.constant 0.000000e+00 : f32
    %max3A_29 = vector.broadcast %max3A : f32 to vector<128x64xf32>
    %max3A_30 = arith.maximumf %add3A_28, %max3A_29 : vector<128x64xf32>
    %add3A_31 = arith.addf %get3A_19, %max3A_30 : vector<128x64xf32>
    %get3A_32 = arith.constant 0 : index
    %get3A_33 = arith.constant 0 : index
    %get3A_34 = vector.load %arg6[%get3A_32, %get3A_33] : memref<128x64xf32, #tpu.memory_space<vmem>>, vector<128x64xf32>
    %dot_general3A_35 = arith.constant dense<0.000000e+00> : vector<128x128xf32>
    %dot_general3A_36 = tpu.matmul %add3A_31, %get3A_34, %dot_general3A_35 {dimension_numbers = #tpu.dot_dimension_numbers<[1], [1], [0], [0], [0, 0, 1, 0], [], []>, transpose_lhs_hint = false} : vector<128x64xf32>, vector<128x64xf32>, vector<128x128xf32> -> vector<128x128xf32>
    %get3A_37 = arith.constant 0 : index
    %get3A_38 = arith.constant 0 : index
    %get3A_39 = vector.load %arg7[%get3A_37, %get3A_38] : memref<1x128xf32, #tpu.memory_space<vmem>>, vector<1x128xf32>
    %add3A_40 = vector.broadcast %get3A_39 : vector<1x128xf32> to vector<128x128xf32>
    %add3A_41 = arith.addf %dot_general3A_36, %add3A_40 : vector<128x128xf32>
    %swap3A = arith.constant 0 : index
    %swap3A_42 = arith.constant 0 : index
    %swap3A_43 = arith.constant 0 : index
    %swap3A_44 = vector.load %arg8[%swap3A, %swap3A_42, %swap3A_43] : memref<1x128x128xf32, #tpu.memory_space<vmem>>, vector<1x128x128xf32>
    %swap3A_45 = vector.shape_cast %swap3A_44 : vector<1x128x128xf32> to vector<128x128xf32>
    %swap3A_46 = vector.shape_cast %add3A_41 : vector<128x128xf32> to vector<1x128x128xf32>
    tpu.vector_store %arg8[%swap3A, %swap3A_42, %swap3A_43], %swap3A_46 {strides = array<i32>} : memref<1x128x128xf32, #tpu.memory_space<vmem>>, vector<1x128x128xf32>,
    return
  }
  func.func @transform_0(%arg0: i32, %arg1: i32) -> (i32, i32, i32) {
    %c0_i32 = arith.constant 0 : i32
    %c0_i32_0 = arith.constant 0 : i32
    return %arg0, %arg1, %c0_i32 : i32, i32, i32
  }
  func.func @transform_1(%arg0: i32, %arg1: i32) -> (i32, i32, i32) {
    %c0_i32 = arith.constant 0 : i32
    %c0_i32_0 = arith.constant 0 : i32
    return %arg0, %arg1, %c0_i32 : i32, i32, i32
  }
  func.func @transform_2(%arg0: i32, %arg1: i32) -> (i32, i32) {
    %c0_i32 = arith.constant 0 : i32
    %c0_i32_0 = arith.constant 0 : i32
    %c0_i32_1 = arith.constant 0 : i32
    return %c0_i32, %c0_i32_0 : i32, i32
  }
  func.func @transform_3(%arg0: i32, %arg1: i32) -> (i32, i32) {
    %c0_i32 = arith.constant 0 : i32
    %c0_i32_0 = arith.constant 0 : i32
    %c0_i32_1 = arith.constant 0 : i32
    return %c0_i32, %c0_i32_0 : i32, i32
  }
  func.func @transform_4(%arg0: i32, %arg1: i32) -> (i32, i32) {
    %c0_i32 = arith.constant 0 : i32
    %c0_i32_0 = arith.constant 0 : i32
    %c0_i32_1 = arith.constant 0 : i32
    return %c0_i32, %c0_i32_0 : i32, i32
  }
  func.func @transform_5(%arg0: i32, %arg1: i32) -> (i32, i32) {
    %c0_i32 = arith.constant 0 : i32
    %c0_i32_0 = arith.constant 0 : i32
    %c0_i32_1 = arith.constant 0 : i32
    return %c0_i32, %c0_i32_0 : i32, i32
  }
  func.func @transform_6(%arg0: i32, %arg1: i32) -> (i32, i32, i32) {
    %c0_i32 = arith.constant 0 : i32
    %c0_i32_0 = arith.constant 0 : i32
    return %arg0, %arg1, %c0_i32 : i32, i32, i32
  }
}

</mosaic_0001>

<sc_bundles>
// kernel: kernel.6.cloned.1.call-start
scs
__scs_entry_jumppad:
0x0: {  	(pc) =	sbr.rel $0x88, $3  }
0x1: {  	(tag) =	ssettag $0x0;
	lr =	simm.s32 $0x1  }
0x2: {  	[smem:$0x3F9A] =	sst lr;
	_ =	strace $0xD0000000  }
0x3: {  	_ = 	snop  }
0x4: {  	_ = 	snop  }
0x5: {  	_ = 	snop  }
0x6: {  	_ = 	snop  }
0x7: {  	_ = 	snop  }
__scs_overlays_trampoline_lowered:
0x8: {  	[smem:$0x3FA9] =	sst s0  }
0x9: {  	[smem:$0x3FAA] =	sst s1  }
0xa: {  	[smem:$0x3FAB] =	sst s2  }
0xb: {  	[smem:$0x3FAC] =	sst s3  }
0xc: {  	[smem:$0x3FAD] =	sst s4  }
0xd: {  	[smem:$0x3FAE] =	sst s5  }
0xe: {  	[smem:$0x3FAF] =	sst s6  }
0xf: {  	[smem:$0x3FB0] =	sst s7  }
0x10: {  	[smem:$0x3FB1] =	sst s8  }
0x11: {  	[smem:$0x3FB2] =	sst s9;
	s0 =	simm.s32 @!p0 $0x0  }
0x12: {  	s1 =	sld [smem:$0x3F98];
	s0 =	simm.s32 @p0 $0x1  }
0x13: {  	[smem:$0x3FB3] =	sst s0;
	s0 =	simm.s32 @!p1 $0x0  }
0x14: {  	s2 =	sld [smem:$0x3F97];
	s0 =	simm.s32 @p1 $0x1  }
0x15: {  	[smem:$0x3FB4] =	sst s0;
	s0 =	simm.s32 @!p2 $0x0  }
0x16: {  	s3 =	sld [smem:$0x3FDB];
	s0 =	simm.s32 @p2 $0x1  }
0x17: {  	s4 =	simm.s32 $0x1BF5;
	[smem:$0x3FB6] =	sst s0  }
0x18: {  	s0 =	sld [smem:$0x3F99];
	_ =	swait.ge [sflag:s4], $0x0  }
0x19: {  	s7 =	sld [smem:$0x3F9A]  }
0x1a: {  	s8 =	sadd.s32 $0xFFFFE003, lr  }
0x1b: {  	s9 =	sadd.s32 $0xFFFFFEF7, lr;
	s5 =	simm.s32 $0xFFFFFFFF;
	p2 =	slt.u32 s8, $0xFFFFF086  }
0x1c: {  	p1 =	slt.u32 s9, $0xF7A;
	s5 =	simm.s32 @!p2 $0x0  }
0x1d: {  	s5 =	simm.s32 @p1 $0x1;
	p0 =	seq.s32 s7, s2  }
0x1e: {  	s7 =	smul.u32 @!p0 $0xF7A, s2;
	p2 =	seq.s32 @!p0 s5, $0x0  }
0x1f: {  	s9 =	smul.u32 $0xF7A, s1;
	s8 =	simm.s32 @!p0 $0x1BF5;
	p2 =	por !p2, p0  }
0x20: {  	[sflag:s8] =	ssyncset.s32 @!p0 $0xFFFFF086;
	s6 =	sadd.s32 @!p0 s3, s7;
	s7 =	simm.s32 @!p0 $0x108  }
0x21: {  	s3 =	sadd.s32 s3, s9;
	s6 =	sadd.s32 @!p0 $0x88, s6;
	s7 =	simm.s32 @p2 $0x1082  }
0x22: {  	[simem:s7], [sflag:s8] =	dma.local @!p0 [hbm:s6], $0xF7A  }
0x23: {  	s9 =	sor.u32 $0xD0000000, s2;
	s6 =	simm.s32 $0x108;
	_ =	swait.ge @!p0 [sflag:s8], $0x0  }
0x24: {  	s3 =	sadd.s32 $0x88, s3;
	s6 =	simm.s32 @!p1 $0x1082;
	[sflag:s4] =	ssyncset.s32 $0xFFFFF086  }
0x25: {  	[simem:s6], [sflag:s4] =	dma.local [hbm:s3], $0xF7A  }
0x26: {  	[smem:$0x3F9A] =	sst s1;
	(tag) =	ssettag s2;
	_ =	strace s9  }
0x27: {  	s1 =	sld [smem:$0x3FAA]  }
0x28: {  	s2 =	sld [smem:$0x3FAB]  }
0x29: {  	s4 =	sld [smem:$0x3FAD]  }
0x2a: {  	p0 =	seq.s32 s5, $0x0;
	s5 =	sld [smem:$0x3FAE]  }
0x2b: {  	s6 =	sld [smem:$0x3FAF]  }
0x2c: {  	s7 =	sld [smem:$0x3FB0]  }
0x2d: {  	s3 =	simm.s32 $0x108;
	s8 =	sld [smem:$0x3FB1]  }
0x2e: {  	s3 =	simm.s32 @!p0 $0x1082;
	s9 =	sld [smem:$0x3FB2]  }
0x2f: {  	lr =	sadd.s32 s0, s3;
	s0 =	sld [smem:$0x3FA9]  }
0x30: {  	s3 =	sld [smem:$0x3FAC]  }
0x31: {  	[smem:$0x3FB5] =	sst s10  }
0x32: {  	s10 =	sld [smem:$0x3FB3];
	_ =	sdelay $0x3  }
0x33: {  	p0 =	seq.s32 s10, $0x1;
	s10 =	sld [smem:$0x3FB5];
	_ =	sdelay $0x3  }
0x34: {  	[smem:$0x3FB5] =	sst s10  }
0x35: {  	s10 =	sld [smem:$0x3FB4];
	_ =	sdelay $0x3  }
0x36: {  	p1 =	seq.s32 s10, $0x1;
	s10 =	sld [smem:$0x3FB5];
	_ =	sdelay $0x3  }
0x37: {  	[smem:$0x3FB5] =	sst s10  }
0x38: {  	s10 =	sld [smem:$0x3FB6]  }
0x39: {  	_ = 	snop;
	(pc) =	sbr.ind lr, $3  }
0x3a: {  	_ = 	snop  }
0x3b: {  	_ = 	snop  }
0x3c: {  	p2 =	seq.s32 s10, $0x1;
	s10 =	sld [smem:$0x3FB5]  }
0x3d: {  	_ =	shalt  }
0x3e: {  	_ =	shalt  }
0x3f: {  	_ =	shalt  }
0x40: {  	_ =	shalt  }
0x41: {  	_ =	shalt  }
0x42: {  	_ =	shalt  }
0x43: {  	_ =	shalt  }
0x44: {  	_ =	shalt  }
0x45: {  	_ =	shalt  }
0x46: {  	_ =	shalt  }
0x47: {  	_ =	shalt  }
0x48: {  	_ =	shalt  }
0x49: {  	_ =	shalt  }
0x4a: {  	_ =	shalt  }
0x4b: {  	_ =	shalt  }
0x4c: {  	_ =	shalt  }
0x4d: {  	_ =	shalt  }
0x4e: {  	_ =	shalt  }
0x4f: {  	_ =	shalt  }
0x50: {  	_ =	shalt  }
0x51: {  	_ =	shalt  }
0x52: {  	_ =	shalt  }
0x53: {  	_ =	shalt  }
0x54: {  	_ =	shalt  }
0x55: {  	_ =	shalt  }
0x56: {  	_ =	shalt  }
0x57: {  	_ =	shalt  }
0x58: {  	_ =	shalt  }
0x59: {  	_ =	shalt  }
0x5a: {  	_ =	shalt  }
0x5b: {  	_ =	shalt  }
0x5c: {  	_ =	shalt  }
0x5d: {  	_ =	shalt  }
0x5e: {  	_ =	shalt  }
0x5f: {  	_ =	shalt  }
0x60: {  	_ =	shalt  }
0x61: {  	_ =	shalt  }
0x62: {  	_ =	shalt  }
0x63: {  	_ =	shalt  }
0x64: {  	_ =	shalt  }
0x65: {  	_ =	shalt  }
0x66: {  	_ =	shalt  }
0x67: {  	_ =	shalt  }
0x68: {  	_ =	shalt  }
0x69: {  	_ =	shalt  }
0x6a: {  	_ =	shalt  }
0x6b: {  	_ =	shalt  }
0x6c: {  	_ =	shalt  }
0x6d: {  	_ =	shalt  }
0x6e: {  	_ =	shalt  }
0x6f: {  	_ =	shalt  }
0x70: {  	_ =	shalt  }
0x71: {  	_ =	shalt  }
0x72: {  	_ =	shalt  }
0x73: {  	_ =	shalt  }
0x74: {  	_ =	shalt  }
0x75: {  	_ =	shalt  }
0x76: {  	_ =	shalt  }
0x77: {  	_ =	shalt  }
0x78: {  	_ =	shalt  }
0x79: {  	_ =	shalt  }
0x7a: {  	_ =	shalt  }
0x7b: {  	_ =	shalt  }
0x7c: {  	_ =	shalt  }
0x7d: {  	_ =	shalt  }
0x7e: {  	_ =	shalt  }
0x7f: {  	_ =	shalt  }
0x80: {  	_ =	shalt  }
0x81: {  	_ =	shalt  }
0x82: {  	_ =	shalt  }
0x83: {  	_ =	shalt  }
0x84: {  	_ =	shalt  }
0x85: {  	_ =	shalt  }
0x86: {  	_ =	shalt  }
0x87: {  	_ =	shalt  }
.Lfunc_end0:
.L_simem_size_0:
called_computation_lowered:
.L_overlay_start_0:
0x88: {  	s2 =	sld [smem:$0x3FD9]  }
0x89: {  	s3 =	sld [smem:$0x3FFE];
	_ =	sdelay $0x1  }
0x8a: {  	s1 =	srdreg.scid  }
0x8b: {  	s0 =	sand.u32 $0x1, s1  }
0x8c: {  	s14 =	sshll.u32 s0, $0xA;
	s2 =	sadd.s32 s3, s2  }
0x8d: {  	s2 =	sadd.s32 s2, s14  }
0x8e: {  	[smem:$0x3FC1] =	sst s2  }
0x8f: {  	_ = 	snop  }
0x90: {  	s2 =	sld [smem:$0x3FD0];
	_ =	sdelay $0x2  }
0x91: {  	s15 =	simm.s32 $0xA;
	s4 =	simm.s32 $0x10  }
0x92: {  	[smem:s4], [sflag:s15] =	dma.local [hbm:s2], $0x1  }
0x93: {  	_ =	swait.eq [sflag:s15], $0x1  }
0x94: {  	[sflag:s15] =	ssyncset.done $0x0  }
0x95: {  	[sflag:s15] =	ssyncadd.s32 $0xFFFFFFFF  }
0x96: {  	s16 =	sld [smem:$0x10];
	(tm) =	ssettm $0x1  }
0x97: {  	s17 =	sld [smem:$0x3FFB];
	_ =	sdelay $0x3  }
0x98: {  	_ =	strace s17  }
0x99: {  	s3 =	sld [smem:$0x3FFC];
	_ =	sdelay $0x3  }
0x9a: {  	_ =	strace s3  }
0x9b: {  	s3 =	sld [smem:$0x3FFD];
	_ =	sdelay $0x3  }
0x9c: {  	_ =	strace s3  }
0x9d: {  	_ =	strace $0x8FFFFFFF  }
0x9e: {  	s18 =	sld [smem:$0x3FDB];
	_ =	sdelay $0x1  }
0x9f: {  	s19 =	simm.s32 $_scs_section_size  }
0xa0: {  	s5 =	simm.s32 $_size__tile_overlayer_lowered;
	s6 =	simm.s32 $_tile_overlayer_lowered  }
0xa1: {  	s22 =	simm.s32 $0x1BFF;
	s21 =	sshll.u32 s6, $0x1;
	s3 =	sadd.s32 s19, s18  }
0xa2: {  	s7 =	simm.s32 $0x0;
	s20 =	sshll.u32 s5, $0x1;
	s5 =	sadd.s32 s21, s3  }
0xa3: {  	[timem:s7], [sflag:s22] =	dma.local [hbm:s5], s20  }
0xa4: {  	_ =	swait.ge [sflag:s22], s20  }
0xa5: {  	s4 =	ssub.s32 $0x0, s20;
	[sflag:s22] =	ssyncset.done $0x0  }
0xa6: {  	[sflag:s22] =	ssyncadd.s32 s4;
	_ =	sdelay $0x1  }
0xa7: {  	s23 =	simm.s32 $0x1B8B  }
0xa8: {  	_ =	swait.ge [sflag:s23], $0x1  }
0xa9: {  	[sflag:s23] =	ssyncset.done $0x0  }
0xaa: {  	s25 =	simm.s32 $0x1B8E;
	s24 =	sld [smem:$0x3FFE];
	[sflag:s23] =	ssyncadd.s32 $0xFFFFFFFF  }
0xab: {  	s26 =	simm.s32 $execute0_lowered;
	[smem:$0x3FD2] =	sst s25  }
0xac: {  	s5 =	sshll.u32 s26, $0x1;
	_ =	strace $0x80000046;
	[dreg:$0x1] =	wrdreg $0xFFFFFFFF  }
0xad: {  	s28 =	simm.s32 $_size_execute0_lowered;
	s3 =	sadd.s32 s3, s5;
	[dreg:$0x0] =	wrdreg $0x0  }
0xae: {  	s5 =	sshll.u32 s28, $0x1;
	[dreg:$0x2] =	wrdreg s3  }
0xaf: {  	[dreg:$0x3] =	wrdreg s5  }
0xb0: {  	[dreg:$0x4] =	wrdreg $0xC0  }
0xb1: {  	_ =	task [dreg:s7], $0x5FFFF  }
0xb2: {  	[dreg:$0x1] =	wrdreg $0xFFFFFFFF  }
0xb3: {  	[dreg:$0x0] =	wrdreg $0x60  }
0xb4: {  	[dreg:$0x2] =	wrdreg s16  }
0xb5: {  	[dreg:$0x3] =	wrdreg s24  }
0xb6: {  	[dreg:$0x4] =	wrdreg $0x9  }
0xb7: {  	_ =	task.clear_ibuf [dreg:s7], $0x5FFFF;
	_ =	strace $0x90000046  }
0xb8: {  	s29 =	simm.s32 $0x9;
	_ =	strace $0x80000048  }
0xb9: {  	_ =	swait.ge [sflag:s29], $0x1  }
0xba: {  	[sflag:s29] =	ssyncadd.s32 $0xFFFFFFFF  }
0xbb: {  	_ =	strace $0x90000048  }
0xbc: {  	_ =	sfence  }
0xbd: {  	s30 =	sld [smem:$0x0];
	_ =	sdelay $0x2  }
0xbe: {  	s31 =	sshll.u32 s1, $0xD;
	s1 =	sshrl.u32 s1, $0x2  }
0xbf: {  	s3 =	sand.u32 $0x4000, s31;
	s1 =	sadd.s32 s1, s30  }
0xc0: {  	s0 =	sor.u32 s3, s0;
	s1 =	sshll.u32 s1, $0x11  }
0xc1: {  	s0 =	sor.u32 s1, s0  }
0xc2: {  	s0 =	sadd.s32 $0x8F2B, s0  }
0xc3: {  	[sflag:s0] =	ssyncadd.remote.s32 $0x1  }
0xc4: {  	_ =	sfence.sel $0xFFFF  }
0xc5: {  	[dreg:$0x0] =	wrdreg $0xFFFFFFFF;
	(pc) =	sbr.abs _section_cstart, $3  }
0xc6: {  	[dreg:$0x1] =	wrdreg $0xFFFFFFFF  }
0xc7: {  	_ =	task.clear_ibuf [dreg:s7], $0x2FFFF;
	_ =	strace $0x9FFFFFFF  }
0xc8: {  	(tm) =	ssettm $0x7FFFFFFF  }
0xc9: {  	_ =	shalt  }
tec
execute0_lowered:
.L_overlay_start_1:
0x0: {  	(tag) =	ssettag $0x1  }
0x1: {  	s1 =	srdreg.scid;
	s0 =	stileid.u32  }
0x2: {  	s18 =	sand.u32 $0x1, s1;
	s26 =	sshll.u32 s0, $0x1  }
0x3: {  	s2 =	rddreg [dreg:$0x0];
	s8 =	sor.u32 s18, s26  }
0x4: {  	s9 =	rddreg [dreg:$0x1];
	s19 =	smul.u32 $0xC00, s8  }
0x5: {  	s3 =	simm.s32 $0x0;
	s1 =	rddreg [dreg:$0x2]  }
0x6: {  	[smem:$0x7FF] =	sst s3;
	s17 =	sadd.s32 $0x1800, s9;
	s4 =	sshrl.u32 s19, $0x3  }
0x7: {  	_ =	strace $0x80000047;
	s5 =	sadd.s32 s17, s4;
	s4 =	simm.s32 $0x2  }
0x8: {  	[tilespmem:s3], [sflag:$0x2] =	stream.linear.gather [hbm4b:s5+s3], $0x200, $0x38;
	[tilespmem:$0x10200] =	vst v63  }
0x9: {  	_ =	swait.ge [sflag:s4], $0x200  }
0xa: {  	[sflag:s4] =	ssyncset.done $0x0  }
0xb: {  	s6 =	simm.s32 $0x200;
	s7 =	simm.s32 $0x1;
	[sflag:s4] =	ssyncadd.s32 $0xFFFFFE00  }
0xc: {  	[tilespmem:s6], [sflag:$0x1] =	stream.indirect.gather [hbm4b:s2+s6], $0x80, s3, s6, $0xb8;
	[tilespmem:$0x10200] =	vst v63  }
0xd: {  	s8 =	smul.u32 $0xC000, s8;
	_ =	swait.ge [sflag:s7], $0x10000  }
0xe: {  	s20 =	sadd.s32 $0x4800, s9;
	[sflag:s7] =	ssyncset.done $0x0  }
0xf: {  	s8 =	sadd.s32 s20, s8;
	[sflag:s7] =	ssyncadd.s32 $0xFFFF0000  }
0x10: {  	[hbm4b:s8+s3] =	stream.linear.scatter [tilespmem:s6], [sflag:$0x2], $0x10000, $0x38;
	[tilespmem:$0x10200] =	vst v63  }
0x11: {  	s10 =	sor.u32 $0x200, s19;
	_ =	swait.ge [sflag:s4], $0x10000  }
0x12: {  	s28 =	sshrl.u32 s10, $0x3;
	[sflag:s4] =	ssyncset.done $0x0  }
0x13: {  	s9 =	sadd.s32 s17, s28;
	[sflag:s4] =	ssyncadd.s32 $0xFFFF0000  }
0x14: {  	[tilespmem:s3], [sflag:$0x2] =	stream.linear.gather [hbm4b:s9+s3], $0x200, $0x38;
	[tilespmem:$0x10200] =	vst v63  }
0x15: {  	_ =	swait.ge [sflag:s4], $0x200  }
0x16: {  	[sflag:s4] =	ssyncset.done $0x0  }
0x17: {  	[sflag:s4] =	ssyncadd.s32 $0xFFFFFE00  }
0x18: {  	[tilespmem:s6], [sflag:$0x1] =	stream.indirect.gather [hbm4b:s2+s6], $0x80, s3, s6, $0xb8;
	[tilespmem:$0x10200] =	vst v63  }
0x19: {  	_ =	swait.ge [sflag:s7], $0x10000  }
0x1a: {  	s10 =	sshll.u32 s10, $0x4;
	[sflag:s7] =	ssyncset.done $0x0  }
0x1b: {  	s10 =	sadd.s32 s20, s10;
	[sflag:s7] =	ssyncadd.s32 $0xFFFF0000  }
0x1c: {  	[hbm4b:s10+s3] =	stream.linear.scatter [tilespmem:s6], [sflag:$0x2], $0x10000, $0x38;
	[tilespmem:$0x10200] =	vst v63  }
0x1d: {  	s12 =	sadd.s32 $0x400, s19;
	_ =	swait.ge [sflag:s4], $0x10000  }
0x1e: {  	s11 =	sshrl.u32 s12, $0x3;
	[sflag:s4] =	ssyncset.done $0x0  }
0x1f: {  	s11 =	sadd.s32 s17, s11;
	[sflag:s4] =	ssyncadd.s32 $0xFFFF0000  }
0x20: {  	[tilespmem:s3], [sflag:$0x2] =	stream.linear.gather [hbm4b:s11+s3], $0x200, $0x38;
	[tilespmem:$0x10200] =	vst v63  }
0x21: {  	_ =	swait.ge [sflag:s4], $0x200  }
0x22: {  	[sflag:s4] =	ssyncset.done $0x0  }
0x23: {  	[sflag:s4] =	ssyncadd.s32 $0xFFFFFE00  }
0x24: {  	[tilespmem:s6], [sflag:$0x1] =	stream.indirect.gather [hbm4b:s2+s6], $0x80, s3, s6, $0xb8;
	[tilespmem:$0x10200] =	vst v63  }
0x25: {  	_ =	swait.ge [sflag:s7], $0x10000  }
0x26: {  	s12 =	sshll.u32 s12, $0x4;
	[sflag:s7] =	ssyncset.done $0x0  }
0x27: {  	s12 =	sadd.s32 s20, s12;
	[sflag:s7] =	ssyncadd.s32 $0xFFFF0000  }
0x28: {  	[hbm4b:s12+s3] =	stream.linear.scatter [tilespmem:s6], [sflag:$0x2], $0x10000, $0x38;
	[tilespmem:$0x10200] =	vst v63  }
0x29: {  	s14 =	sadd.s32 $0x600, s19;
	_ =	swait.ge [sflag:s4], $0x10000  }
0x2a: {  	s13 =	sshrl.u32 s14, $0x3;
	[sflag:s4] =	ssyncset.done $0x0  }
0x2b: {  	s13 =	sadd.s32 s17, s13;
	[sflag:s4] =	ssyncadd.s32 $0xFFFF0000  }
0x2c: {  	[tilespmem:s3], [sflag:$0x2] =	stream.linear.gather [hbm4b:s13+s3], $0x200, $0x38;
	[tilespmem:$0x10200] =	vst v63  }
0x2d: {  	_ =	swait.ge [sflag:s4], $0x200  }
0x2e: {  	[sflag:s4] =	ssyncset.done $0x0  }
0x2f: {  	[sflag:s4] =	ssyncadd.s32 $0xFFFFFE00  }
0x30: {  	[tilespmem:s6], [sflag:$0x1] =	stream.indirect.gather [hbm4b:s2+s6], $0x80, s3, s6, $0xb8;
	[tilespmem:$0x10200] =	vst v63  }
0x31: {  	_ =	swait.ge [sflag:s7], $0x10000  }
0x32: {  	s14 =	sshll.u32 s14, $0x4;
	[sflag:s7] =	ssyncset.done $0x0  }
0x33: {  	s14 =	sadd.s32 s20, s14;
	[sflag:s7] =	ssyncadd.s32 $0xFFFF0000  }
0x34: {  	[hbm4b:s14+s3] =	stream.linear.scatter [tilespmem:s6], [sflag:$0x2], $0x10000, $0x38;
	[tilespmem:$0x10200] =	vst v63  }
0x35: {  	s16 =	sadd.s32 $0x800, s19;
	_ =	swait.ge [sflag:s4], $0x10000  }
0x36: {  	s15 =	sshrl.u32 s16, $0x3;
	[sflag:s4] =	ssyncset.done $0x0  }
0x37: {  	s15 =	sadd.s32 s17, s15;
	[sflag:s4] =	ssyncadd.s32 $0xFFFF0000  }
0x38: {  	[tilespmem:s3], [sflag:$0x2] =	stream.linear.gather [hbm4b:s15+s3], $0x200, $0x38;
	[tilespmem:$0x10200] =	vst v63  }
0x39: {  	_ =	swait.ge [sflag:s4], $0x200  }
0x3a: {  	[sflag:s4] =	ssyncset.done $0x0  }
0x3b: {  	[sflag:s4] =	ssyncadd.s32 $0xFFFFFE00  }
0x3c: {  	[tilespmem:s6], [sflag:$0x1] =	stream.indirect.gather [hbm4b:s2+s6], $0x80, s3, s6, $0xb8;
	[tilespmem:$0x10200] =	vst v63  }
0x3d: {  	_ =	swait.ge [sflag:s7], $0x10000  }
0x3e: {  	s16 =	sshll.u32 s16, $0x4;
	[sflag:s7] =	ssyncset.done $0x0  }
0x3f: {  	s16 =	sadd.s32 s20, s16;
	[sflag:s7] =	ssyncadd.s32 $0xFFFF0000  }
0x40: {  	[hbm4b:s16+s3] =	stream.linear.scatter [tilespmem:s6], [sflag:$0x2], $0x10000, $0x38;
	[tilespmem:$0x10200] =	vst v63  }
0x41: {  	s19 =	sadd.s32 $0xA00, s19;
	_ =	swait.ge [sflag:s4], $0x10000  }
0x42: {  	s21 =	sshrl.u32 s19, $0x3;
	[sflag:s4] =	ssyncset.done $0x0  }
0x43: {  	s18 =	ssub.s32 $0x2, s18;
	s17 =	sadd.s32 s17, s21;
	[sflag:s4] =	ssyncadd.s32 $0xFFFF0000  }
0x44: {  	[tilespmem:s3], [sflag:$0x2] =	stream.linear.gather [hbm4b:s17+s3], $0x200, $0x38;
	[tilespmem:$0x10200] =	vst v63  }
0x45: {  	s29 =	sshrl.u32 s18, $0x1;
	_ =	swait.ge [sflag:s4], $0x200  }
0x46: {  	s21 =	ssub.s32 s18, s29;
	[sflag:s4] =	ssyncset.done $0x0  }
0x47: {  	s31 =	smax.u32 s21, $0x1;
	[sflag:s4] =	ssyncadd.s32 $0xFFFFFE00  }
0x48: {  	[tilespmem:s6], [sflag:$0x1] =	stream.indirect.gather [hbm4b:s2+s6], $0x80, s3, s6, $0xb8;
	[tilespmem:$0x10200] =	vst v63  }
0x49: {  	p0 =	sne.s32 s31, $0x1;
	_ =	swait.ge [sflag:s7], $0x10000  }
.Ltmp0:
0x4a: {  	s30 =	sshll.u32 s19, $0x4;
	[sflag:s7] =	ssyncset.done $0x0;
	(pc) =	sbr.rel @!p0 .LBB2_2-.Ltmp0, $4  }
0x4b: {  	s18 =	sadd.s32 s20, s30;
	[sflag:s7] =	ssyncadd.s32 $0xFFFF0000  }
0x4c: {  	[hbm4b:s18+s3] =	stream.linear.scatter [tilespmem:s6], [sflag:$0x2], $0x10000, $0x38;
	[tilespmem:$0x10200] =	vst v63  }
0x4d: {  	_ =	swait.ge [sflag:s4], $0x10000  }
0x4e: {  	s19 =	sadd.s32 $0xFFFFFFFF, s31;
	[sflag:s4] =	ssyncset.done $0x0  }
.LBB2_1:
0x4f: {  	p0 =	sne.s32 s19, $0x1;
	s19 =	sadd.s32 $0xFFFFFFFF, s19;
	[sflag:s4] =	ssyncadd.s32 $0xFFFF0000  }
0x50: {  	[tilespmem:s3], [sflag:$0x2] =	stream.linear.gather [hbm4b:s5+s3], $0x200, $0x38;
	[tilespmem:$0x10200] =	vst v63  }
0x51: {  	_ =	swait.ge [sflag:s4], $0x200  }
0x52: {  	[sflag:s4] =	ssyncset.done $0x0  }
0x53: {  	[sflag:s4] =	ssyncadd.s32 $0xFFFFFE00  }
0x54: {  	[tilespmem:s6], [sflag:$0x1] =	stream.indirect.gather [hbm4b:s2+s6], $0x80, s3, s6, $0xb8;
	[tilespmem:$0x10200] =	vst v63  }
0x55: {  	_ =	swait.ge [sflag:s7], $0x10000  }
0x56: {  	[sflag:s7] =	ssyncset.done $0x0  }
0x57: {  	[sflag:s7] =	ssyncadd.s32 $0xFFFF0000  }
0x58: {  	[hbm4b:s8+s3] =	stream.linear.scatter [tilespmem:s6], [sflag:$0x2], $0x10000, $0x38;
	[tilespmem:$0x10200] =	vst v63  }
0x59: {  	_ =	swait.ge [sflag:s4], $0x10000  }
0x5a: {  	[sflag:s4] =	ssyncset.done $0x0  }
0x5b: {  	[sflag:s4] =	ssyncadd.s32 $0xFFFF0000  }
0x5c: {  	[tilespmem:s3], [sflag:$0x2] =	stream.linear.gather [hbm4b:s9+s3], $0x200, $0x38;
	[tilespmem:$0x10200] =	vst v63  }
0x5d: {  	_ =	swait.ge [sflag:s4], $0x200  }
0x5e: {  	[sflag:s4] =	ssyncset.done $0x0  }
0x5f: {  	[sflag:s4] =	ssyncadd.s32 $0xFFFFFE00  }
0x60: {  	[tilespmem:s6], [sflag:$0x1] =	stream.indirect.gather [hbm4b:s2+s6], $0x80, s3, s6, $0xb8;
	[tilespmem:$0x10200] =	vst v63  }
0x61: {  	_ =	swait.ge [sflag:s7], $0x10000  }
0x62: {  	[sflag:s7] =	ssyncset.done $0x0  }
0x63: {  	[sflag:s7] =	ssyncadd.s32 $0xFFFF0000  }
0x64: {  	[hbm4b:s10+s3] =	stream.linear.scatter [tilespmem:s6], [sflag:$0x2], $0x10000, $0x38;
	[tilespmem:$0x10200] =	vst v63  }
0x65: {  	_ =	swait.ge [sflag:s4], $0x10000  }
0x66: {  	[sflag:s4] =	ssyncset.done $0x0  }
0x67: {  	[sflag:s4] =	ssyncadd.s32 $0xFFFF0000  }
0x68: {  	[tilespmem:s3], [sflag:$0x2] =	stream.linear.gather [hbm4b:s11+s3], $0x200, $0x38;
	[tilespmem:$0x10200] =	vst v63  }
0x69: {  	_ =	swait.ge [sflag:s4], $0x200  }
0x6a: {  	[sflag:s4] =	ssyncset.done $0x0  }
0x6b: {  	[sflag:s4] =	ssyncadd.s32 $0xFFFFFE00  }
0x6c: {  	[tilespmem:s6], [sflag:$0x1] =	stream.indirect.gather [hbm4b:s2+s6], $0x80, s3, s6, $0xb8;
	[tilespmem:$0x10200] =	vst v63  }
0x6d: {  	_ =	swait.ge [sflag:s7], $0x10000  }
0x6e: {  	[sflag:s7] =	ssyncset.done $0x0  }
0x6f: {  	[sflag:s7] =	ssyncadd.s32 $0xFFFF0000  }
0x70: {  	[hbm4b:s12+s3] =	stream.linear.scatter [tilespmem:s6], [sflag:$0x2], $0x10000, $0x38;
	[tilespmem:$0x10200] =	vst v63  }
0x71: {  	_ =	swait.ge [sflag:s4], $0x10000  }
0x72: {  	[sflag:s4] =	ssyncset.done $0x0  }
0x73: {  	[sflag:s4] =	ssyncadd.s32 $0xFFFF0000  }
0x74: {  	[tilespmem:s3], [sflag:$0x2] =	stream.linear.gather [hbm4b:s13+s3], $0x200, $0x38;
	[tilespmem:$0x10200] =	vst v63  }
0x75: {  	_ =	swait.ge [sflag:s4], $0x200  }
0x76: {  	[sflag:s4] =	ssyncset.done $0x0  }
0x77: {  	[sflag:s4] =	ssyncadd.s32 $0xFFFFFE00  }
0x78: {  	[tilespmem:s6], [sflag:$0x1] =	stream.indirect.gather [hbm4b:s2+s6], $0x80, s3, s6, $0xb8;
	[tilespmem:$0x10200] =	vst v63  }
0x79: {  	_ =	swait.ge [sflag:s7], $0x10000  }
0x7a: {  	[sflag:s7] =	ssyncset.done $0x0  }
0x7b: {  	[sflag:s7] =	ssyncadd.s32 $0xFFFF0000  }
0x7c: {  	[hbm4b:s14+s3] =	stream.linear.scatter [tilespmem:s6], [sflag:$0x2], $0x10000, $0x38;
	[tilespmem:$0x10200] =	vst v63  }
0x7d: {  	_ =	swait.ge [sflag:s4], $0x10000  }
0x7e: {  	[sflag:s4] =	ssyncset.done $0x0  }
0x7f: {  	[sflag:s4] =	ssyncadd.s32 $0xFFFF0000  }
0x80: {  	[tilespmem:s3], [sflag:$0x2] =	stream.linear.gather [hbm4b:s15+s3], $0x200, $0x38;
	[tilespmem:$0x10200] =	vst v63  }
0x81: {  	_ =	swait.ge [sflag:s4], $0x200  }
0x82: {  	[sflag:s4] =	ssyncset.done $0x0  }
0x83: {  	[sflag:s4] =	ssyncadd.s32 $0xFFFFFE00  }
0x84: {  	[tilespmem:s6], [sflag:$0x1] =	stream.indirect.gather [hbm4b:s2+s6], $0x80, s3, s6, $0xb8;
	[tilespmem:$0x10200] =	vst v63  }
0x85: {  	_ =	swait.ge [sflag:s7], $0x10000  }
0x86: {  	[sflag:s7] =	ssyncset.done $0x0  }
0x87: {  	[sflag:s7] =	ssyncadd.s32 $0xFFFF0000  }
0x88: {  	[hbm4b:s16+s3] =	stream.linear.scatter [tilespmem:s6], [sflag:$0x2], $0x10000, $0x38;
	[tilespmem:$0x10200] =	vst v63  }
0x89: {  	_ =	swait.ge [sflag:s4], $0x10000  }
0x8a: {  	[sflag:s4] =	ssyncset.done $0x0  }
0x8b: {  	[sflag:s4] =	ssyncadd.s32 $0xFFFF0000  }
0x8c: {  	[tilespmem:s3], [sflag:$0x2] =	stream.linear.gather [hbm4b:s17+s3], $0x200, $0x38;
	[tilespmem:$0x10200] =	vst v63  }
0x8d: {  	_ =	swait.ge [sflag:s4], $0x200  }
0x8e: {  	[sflag:s4] =	ssyncset.done $0x0  }
0x8f: {  	[sflag:s4] =	ssyncadd.s32 $0xFFFFFE00  }
0x90: {  	[tilespmem:s6], [sflag:$0x1] =	stream.indirect.gather [hbm4b:s2+s6], $0x80, s3, s6, $0xb8;
	[tilespmem:$0x10200] =	vst v63  }
0x91: {  	_ =	swait.ge [sflag:s7], $0x10000  }
.Ltmp1:
0x92: {  	[sflag:s7] =	ssyncset.done $0x0;
	(pc) =	sbr.rel @p0 .LBB2_1-.Ltmp1, $4  }
0x93: {  	[sflag:s7] =	ssyncadd.s32 $0xFFFF0000  }
0x94: {  	[hbm4b:s18+s3] =	stream.linear.scatter [tilespmem:s6], [sflag:$0x2], $0x10000, $0x38;
	[tilespmem:$0x10200] =	vst v63  }
0x95: {  	_ =	swait.ge [sflag:s4], $0x10000  }
0x96: {  	[sflag:s4] =	ssyncset.done $0x0  }
.LBB2_2:
0x97: {  	[sflag:s4] =	ssyncadd.s32 $0xFFFF0000  }
0x98: {  	_ =	sfence.sel $0x180000  }
0x99: {  	[bflag:$0x0] =	sbarrier.arrive $0xFFFF  }
0x9a: {  	p0 =	sne.s32 s0, $0x0;
	_ =	strace $0x90000047  }
0x9b: {  	s0 =	sadd.s32 @!p0 $0x100000, s1;
	[bflag:$0x2] =	sbarrier.arrive $0xFFFF  }
0x9c: {  	[sflag:s0] =	ssyncadd.tile.s32 @!p0 $0x1;
	_ =	shalt  }
.Lfunc_end2:
_tile_overlayer_lowered:
.L_overlay_start_2:
0x9d: {  	(tag) =	ssettag $0x2  }
0x9e: {  	s0 =	rddreg [dreg:$0x0];
	s2 =	stileid.u32  }
0x9f: {  	s1 =	rddreg [dreg:$0x1];
	p0 =	sne.s32 s2, $0x0  }
0xa0: {  	s3 =	rddreg [dreg:$0x2];
	[bflag:$0x3] =	sbarrier.arrive $0xFFFF;
	s2 =	simm.s32 @!p0 $0x1C02  }
0xa1: {  	[timem:s3], [sflag:s2] =	dma.local @!p0 [hbm:s0], s1  }
0xa2: {  	s0 =	simm.s32 @!p0 $0x2  }
0xa3: {  	_ =	swait.ge @!p0 [sflag:s0], s1  }
0xa4: {  	s1 =	ssub.s32 @!p0 $0x0, s1;
	[sflag:s0] =	ssyncset.done @!p0 $0x0  }
0xa5: {  	[sflag:s0] =	ssyncadd.s32 @!p0 s1  }
0xa6: {  	[bflag:$0x3] =	sbarrier.arrive $0xFFFF  }
0xa7: {  	_ =	shalt  }

</sc_bundles>
